<compile_context>
chip_gen: v7x
topology: tpu7x:2x2x1
jax: 0.10.2.dev20260603
libtpu: 0.0.44.dev20260713+nightly
codegen_flags: <defaults>
</compile_context>

<pallas_src>
import jax
import jax.numpy as jnp
from jax import lax
from jax.experimental import pallas as pl
from jax.experimental.pallas import tpu as pltpu
from jax.experimental.pallas import tpu_sc as plsc

_D = 64
_NC, _NS = 2, 16
_NW = _NC * _NS
_C = 128
_K = 4
_NBUF = 3


def _build(nsteps):
  mesh = plsc.VectorSubcoreMesh(
      core_axis_name="c", subcore_axis_name="s",
      num_cores=_NC, num_subcores=_NS)
  nchunks = nsteps * _K
  bpw = nchunks * _C

  def body(idx_hbm, table_hbm, out_hbm, idx_v, rows_v,
           g0, g1, g2, w0, w1, w2):
    gsem = [g0, g1, g2]
    wsem = [w0, w1, w2]
    wid = lax.axis_index("s") * _NC + lax.axis_index("c")
    base = wid * bpw
    pltpu.sync_copy(idx_hbm.at[pl.ds(base, bpw)], idx_v)
    out_w = out_hbm.at[pl.ds(base, bpw)]

    def fire_g(j, b):
      for jj in range(_K):
        pltpu.async_copy(table_hbm.at[idx_v.at[pl.ds((j * _K + jj) * _C, _C)]],
                         rows_v.at[b, pl.ds(jj * _C, _C)], gsem[b])

    def wait_g(b):
      pltpu.make_async_copy(out_w.at[pl.ds(0, _K * _C), pl.ds(0, _D)],
                            rows_v.at[b], gsem[b]).wait()

    def fire_w(i, b):
      pltpu.async_copy(rows_v.at[b],
                       out_w.at[pl.ds(i * _K * _C, _K * _C), pl.ds(0, _D)],
                       wsem[b])

    def wait_w(b):
      pltpu.make_async_copy(rows_v.at[b],
                            out_w.at[pl.ds(0, _K * _C), pl.ds(0, _D)],
                            wsem[b]).wait()

    fire_g(0, 0)
    fire_g(1, 1)

    wait_g(0)
    fire_w(0, 0)
    fire_g(2, 2)

    for i in (1, 2):
      b = i % _NBUF
      rb = (i + 2) % _NBUF
      wait_g(b)
      fire_w(i, b)
      wait_w(rb)
      fire_g(i + 2, rb)

    @pl.loop(3, nsteps - 2, step=_NBUF)
    def _mid(t):
      for db in range(_NBUF):
        i = t + db
        b = db
        rb = (db + 2) % _NBUF
        wait_g(b)
        fire_w(i, b)
        wait_w(rb)
        fire_g(i + 2, rb)

    for i in (nsteps - 2, nsteps - 1):
      b = i % _NBUF
      wait_g(b)
      fire_w(i, b)

    for b in range(_NBUF):
      wait_w(b)

  return pl.kernel(
      body,
      out_type=jax.ShapeDtypeStruct((_NW * bpw, 2 * _D), jnp.float32),
      mesh=mesh,
      scratch_types=[
          pltpu.VMEM((bpw,), jnp.int32),
          pltpu.VMEM((_NBUF, _K * _C, _D), jnp.float32),
          pltpu.SemaphoreType.DMA,
          pltpu.SemaphoreType.DMA,
          pltpu.SemaphoreType.DMA,
          pltpu.SemaphoreType.DMA,
          pltpu.SemaphoreType.DMA,
          pltpu.SemaphoreType.DMA,
      ],
      compiler_params=pltpu.CompilerParams(use_tc_tiling_on_sc=False),
  )


def kernel(x, W):
  B, H = x.shape
  n = B * H
  rows_per_step = _K * _C
  nsteps = n // (_NW * rows_per_step)
  idx = x.reshape(n).astype(jnp.int32)
  out = _build(nsteps)(idx, W)
  return out[:, :_D].reshape(B, H, _D)

# --- scband reference (transcript-rebuilt; emitter-appended) ---
"""Pipeline reference for scband-word-embedding-layer-57320633532492 (READ-ONLY COPY).

The authoritative reference and input builder live on the scoring server;
editing this copy changes nothing except your own understanding.
"""

import jax, jax.numpy as jnp
import numpy as np

VOCAB = 1000000
EMBED_DIM = 64
BATCH = 4096
HIST = 200

def setup_inputs(seed: int = 0) -> dict:
    key = jax.random.key(seed)
    k_idx, k_w = jax.random.split(key)
    x = jax.random.randint(k_idx, (BATCH, HIST), 0, VOCAB, dtype=jnp.int64)
    W = jax.random.normal(k_w, (VOCAB, EMBED_DIM), dtype=jnp.float32) * 0.02
    return {"x": x, "W": W}

def reference(x, W):
    # nn.Embedding lookup (padding_idx only affects grads, not forward);
    # dropout is identity in eval mode.
    embedding = jnp.take(W, x, axis=0)
    return embedding

if __name__ == "__main__":
    import jax
    _d = setup_inputs()
    print(jax.jit(kernel)(*tuple(_d.values())))

</pallas_src>

<mosaic_0001>
#map = affine_map<(d0, d1) -> (0)>
#map1 = affine_map<(d0, d1) -> (0, 0)>
module attributes {stable_mosaic.version = 14 : i64} {
  func.func @body(%arg0: i32, %arg1: i32, %arg2: memref<819200xi32, #tpu.memory_space<hbm>>, %arg3: memref<1000000x64xf32, #tpu.memory_space<hbm>>, %arg4: memref<819200x128xf32, #tpu.memory_space<hbm>>, %arg5: memref<25600xi32, #tpu.memory_space<vmem>>, %arg6: memref<3x512x64xf32, #tpu.memory_space<vmem>>, %arg7: memref<!tpu.dma_semaphore, #tpu.memory_space<semaphore_mem>>, %arg8: memref<!tpu.dma_semaphore, #tpu.memory_space<semaphore_mem>>, %arg9: memref<!tpu.dma_semaphore, #tpu.memory_space<semaphore_mem>>, %arg10: memref<!tpu.dma_semaphore, #tpu.memory_space<semaphore_mem>>, %arg11: memref<!tpu.dma_semaphore, #tpu.memory_space<semaphore_mem>>, %arg12: memref<!tpu.dma_semaphore, #tpu.memory_space<semaphore_mem>>) attributes {dimension_semantics = [#tpu.dimension_semantics<core_parallel>, #tpu.dimension_semantics<subcore_parallel>], iteration_bounds = array<i64: 2, 16>, scalar_prefetch = 0 : i64, scratch_operands = 8 : i64, tpu.core_type = #tpu.core_type<sc_vector_subcore>, window_params = [{transform_indices = #map}, {transform_indices = #map1}, {transform_indices = #map1}]} {
    %mul3A = arith.constant 2 : i32
    %mul3A_0 = arith.muli %arg1, %mul3A : i32
    %add3A = arith.addi %mul3A_0, %arg0 : i32
    %mul3A_1 = arith.constant 25600 : i32
    %mul3A_2 = arith.muli %add3A, %mul3A_1 : i32
    "tpu.region"() ({
      %run_scoped3A = tpu.sem_alloc : memref<!tpu.dma_semaphore, #tpu.memory_space<semaphore_mem>>
      %dma_start3A_490 = tpu.memref_slice %arg2[%mul3A_2] : memref<819200xi32, #tpu.memory_space<hbm>> -> memref<25600xi32, #tpu.memory_space<hbm>>
      %dma_start3A_491 = tpu.memref_slice %arg2[%mul3A_2] : memref<819200xi32, #tpu.memory_space<hbm>> -> memref<25600xi32, #tpu.memory_space<hbm>>
      tpu.enqueue_dma source(%dma_start3A_491 : memref<25600xi32, #tpu.memory_space<hbm>>) target(%arg5 : memref<25600xi32, #tpu.memory_space<vmem>>) target_semaphore(%run_scoped3A : memref<!tpu.dma_semaphore, #tpu.memory_space<semaphore_mem>>)
      %dma_wait3A_492 = tpu.memref_slice %arg2[%mul3A_2] : memref<819200xi32, #tpu.memory_space<hbm>> -> memref<25600xi32, #tpu.memory_space<hbm>>
      %dma_wait3A_493 = tpu.memref_slice %arg2[%mul3A_2] : memref<819200xi32, #tpu.memory_space<hbm>> -> memref<25600xi32, #tpu.memory_space<hbm>>
      tpu.wait_dma2 semaphore(%run_scoped3A : memref<!tpu.dma_semaphore, #tpu.memory_space<semaphore_mem>>) src(%dma_wait3A_493 : memref<25600xi32, #tpu.memory_space<hbm>>) dst(%arg5 : memref<25600xi32, #tpu.memory_space<vmem>>)
      tpu.yield
    }) : () -> ()
    %dma_start3A = arith.constant 0 : i32
    %dma_start3A_3 = arith.constant 0 : i32
    %dma_start3A_4 = arith.constant 0 : i32
    %dma_start3A_5 = tpu.memref_slice %arg6[%dma_start3A, %dma_start3A_3, %dma_start3A_4] : memref<3x512x64xf32, #tpu.memory_space<vmem>> -> memref<1x128x64xf32, #tpu.memory_space<vmem>>
    %dma_start3A_6 = tpu.memref_squeeze %dma_start3A_5 : memref<1x128x64xf32, #tpu.memory_space<vmem>> -> memref<128x64xf32, #tpu.memory_space<vmem>>
    %dma_start3A_7 = arith.constant 0 : i32
    %dma_start3A_8 = tpu.memref_slice %arg5[%dma_start3A_7] : memref<25600xi32, #tpu.memory_space<vmem>> -> memref<128xi32, #tpu.memory_space<vmem>>
    %dma_start3A_9 = arith.constant 0 : i32
    %dma_start3A_10 = arith.constant 0 : i32
    %dma_start3A_11 = tpu.memref_slice %arg3[%dma_start3A_9, %dma_start3A_10] : memref<1000000x64xf32, #tpu.memory_space<hbm>> -> memref<1000000x64xf32, #tpu.memory_space<hbm>>
    tpu.enqueue_indirect_dma source(%dma_start3A_11 : memref<1000000x64xf32, #tpu.memory_space<hbm>>) target(%dma_start3A_6 : memref<128x64xf32, #tpu.memory_space<vmem>>) offsets(%dma_start3A_8 : memref<128xi32, #tpu.memory_space<vmem>>) semaphore(%arg7 : memref<!tpu.dma_semaphore, #tpu.memory_space<semaphore_mem>>)
    %dma_start3A_12 = arith.constant 0 : i32
    %dma_start3A_13 = arith.constant 128 : i32
    %dma_start3A_14 = arith.constant 0 : i32
    %dma_start3A_15 = tpu.memref_slice %arg6[%dma_start3A_12, %dma_start3A_13, %dma_start3A_14] : memref<3x512x64xf32, #tpu.memory_space<vmem>> -> memref<1x128x64xf32, #tpu.memory_space<vmem>>
    %dma_start3A_16 = tpu.memref_squeeze %dma_start3A_15 : memref<1x128x64xf32, #tpu.memory_space<vmem>> -> memref<128x64xf32, #tpu.memory_space<vmem>>
    %dma_start3A_17 = arith.constant 128 : i32
    %dma_start3A_18 = tpu.memref_slice %arg5[%dma_start3A_17] : memref<25600xi32, #tpu.memory_space<vmem>> -> memref<128xi32, #tpu.memory_space<vmem>>
    %dma_start3A_19 = arith.constant 0 : i32
    %dma_start3A_20 = arith.constant 0 : i32
    %dma_start3A_21 = tpu.memref_slice %arg3[%dma_start3A_19, %dma_start3A_20] : memref<1000000x64xf32, #tpu.memory_space<hbm>> -> memref<1000000x64xf32, #tpu.memory_space<hbm>>
    tpu.enqueue_indirect_dma source(%dma_start3A_21 : memref<1000000x64xf32, #tpu.memory_space<hbm>>) target(%dma_start3A_16 : memref<128x64xf32, #tpu.memory_space<vmem>>) offsets(%dma_start3A_18 : memref<128xi32, #tpu.memory_space<vmem>>) semaphore(%arg7 : memref<!tpu.dma_semaphore, #tpu.memory_space<semaphore_mem>>)
    %dma_start3A_22 = arith.constant 0 : i32
    %dma_start3A_23 = arith.constant 256 : i32
    %dma_start3A_24 = arith.constant 0 : i32
    %dma_start3A_25 = tpu.memref_slice %arg6[%dma_start3A_22, %dma_start3A_23, %dma_start3A_24] : memref<3x512x64xf32, #tpu.memory_space<vmem>> -> memref<1x128x64xf32, #tpu.memory_space<vmem>>
    %dma_start3A_26 = tpu.memref_squeeze %dma_start3A_25 : memref<1x128x64xf32, #tpu.memory_space<vmem>> -> memref<128x64xf32, #tpu.memory_space<vmem>>
    %dma_start3A_27 = arith.constant 256 : i32
    %dma_start3A_28 = tpu.memref_slice %arg5[%dma_start3A_27] : memref<25600xi32, #tpu.memory_space<vmem>> -> memref<128xi32, #tpu.memory_space<vmem>>
    %dma_start3A_29 = arith.constant 0 : i32
    %dma_start3A_30 = arith.constant 0 : i32
    %dma_start3A_31 = tpu.memref_slice %arg3[%dma_start3A_29, %dma_start3A_30] : memref<1000000x64xf32, #tpu.memory_space<hbm>> -> memref<1000000x64xf32, #tpu.memory_space<hbm>>
    tpu.enqueue_indirect_dma source(%dma_start3A_31 : memref<1000000x64xf32, #tpu.memory_space<hbm>>) target(%dma_start3A_26 : memref<128x64xf32, #tpu.memory_space<vmem>>) offsets(%dma_start3A_28 : memref<128xi32, #tpu.memory_space<vmem>>) semaphore(%arg7 : memref<!tpu.dma_semaphore, #tpu.memory_space<semaphore_mem>>)
    %dma_start3A_32 = arith.constant 0 : i32
    %dma_start3A_33 = arith.constant 384 : i32
    %dma_start3A_34 = arith.constant 0 : i32
    %dma_start3A_35 = tpu.memref_slice %arg6[%dma_start3A_32, %dma_start3A_33, %dma_start3A_34] : memref<3x512x64xf32, #tpu.memory_space<vmem>> -> memref<1x128x64xf32, #tpu.memory_space<vmem>>
    %dma_start3A_36 = tpu.memref_squeeze %dma_start3A_35 : memref<1x128x64xf32, #tpu.memory_space<vmem>> -> memref<128x64xf32, #tpu.memory_space<vmem>>
    %dma_start3A_37 = arith.constant 384 : i32
    %dma_start3A_38 = tpu.memref_slice %arg5[%dma_start3A_37] : memref<25600xi32, #tpu.memory_space<vmem>> -> memref<128xi32, #tpu.memory_space<vmem>>
    %dma_start3A_39 = arith.constant 0 : i32
    %dma_start3A_40 = arith.constant 0 : i32
    %dma_start3A_41 = tpu.memref_slice %arg3[%dma_start3A_39, %dma_start3A_40] : memref<1000000x64xf32, #tpu.memory_space<hbm>> -> memref<1000000x64xf32, #tpu.memory_space<hbm>>
    tpu.enqueue_indirect_dma source(%dma_start3A_41 : memref<1000000x64xf32, #tpu.memory_space<hbm>>) target(%dma_start3A_36 : memref<128x64xf32, #tpu.memory_space<vmem>>) offsets(%dma_start3A_38 : memref<128xi32, #tpu.memory_space<vmem>>) semaphore(%arg7 : memref<!tpu.dma_semaphore, #tpu.memory_space<semaphore_mem>>)
    %dma_start3A_42 = arith.constant 1 : i32
    %dma_start3A_43 = arith.constant 0 : i32
    %dma_start3A_44 = arith.constant 0 : i32
    %dma_start3A_45 = tpu.memref_slice %arg6[%dma_start3A_42, %dma_start3A_43, %dma_start3A_44] : memref<3x512x64xf32, #tpu.memory_space<vmem>> -> memref<1x128x64xf32, #tpu.memory_space<vmem>>
    %dma_start3A_46 = tpu.memref_squeeze %dma_start3A_45 : memref<1x128x64xf32, #tpu.memory_space<vmem>> -> memref<128x64xf32, #tpu.memory_space<vmem>>
    %dma_start3A_47 = arith.constant 512 : i32
    %dma_start3A_48 = tpu.memref_slice %arg5[%dma_start3A_47] : memref<25600xi32, #tpu.memory_space<vmem>> -> memref<128xi32, #tpu.memory_space<vmem>>
    %dma_start3A_49 = arith.constant 0 : i32
    %dma_start3A_50 = arith.constant 0 : i32
    %dma_start3A_51 = tpu.memref_slice %arg3[%dma_start3A_49, %dma_start3A_50] : memref<1000000x64xf32, #tpu.memory_space<hbm>> -> memref<1000000x64xf32, #tpu.memory_space<hbm>>
    tpu.enqueue_indirect_dma source(%dma_start3A_51 : memref<1000000x64xf32, #tpu.memory_space<hbm>>) target(%dma_start3A_46 : memref<128x64xf32, #tpu.memory_space<vmem>>) offsets(%dma_start3A_48 : memref<128xi32, #tpu.memory_space<vmem>>) semaphore(%arg8 : memref<!tpu.dma_semaphore, #tpu.memory_space<semaphore_mem>>)
    %dma_start3A_52 = arith.constant 1 : i32
    %dma_start3A_53 = arith.constant 128 : i32
    %dma_start3A_54 = arith.constant 0 : i32
    %dma_start3A_55 = tpu.memref_slice %arg6[%dma_start3A_52, %dma_start3A_53, %dma_start3A_54] : memref<3x512x64xf32, #tpu.memory_space<vmem>> -> memref<1x128x64xf32, #tpu.memory_space<vmem>>
    %dma_start3A_56 = tpu.memref_squeeze %dma_start3A_55 : memref<1x128x64xf32, #tpu.memory_space<vmem>> -> memref<128x64xf32, #tpu.memory_space<vmem>>
    %dma_start3A_57 = arith.constant 640 : i32
    %dma_start3A_58 = tpu.memref_slice %arg5[%dma_start3A_57] : memref<25600xi32, #tpu.memory_space<vmem>> -> memref<128xi32, #tpu.memory_space<vmem>>
    %dma_start3A_59 = arith.constant 0 : i32
    %dma_start3A_60 = arith.constant 0 : i32
    %dma_start3A_61 = tpu.memref_slice %arg3[%dma_start3A_59, %dma_start3A_60] : memref<1000000x64xf32, #tpu.memory_space<hbm>> -> memref<1000000x64xf32, #tpu.memory_space<hbm>>
    tpu.enqueue_indirect_dma source(%dma_start3A_61 : memref<1000000x64xf32, #tpu.memory_space<hbm>>) target(%dma_start3A_56 : memref<128x64xf32, #tpu.memory_space<vmem>>) offsets(%dma_start3A_58 : memref<128xi32, #tpu.memory_space<vmem>>) semaphore(%arg8 : memref<!tpu.dma_semaphore, #tpu.memory_space<semaphore_mem>>)
    %dma_start3A_62 = arith.constant 1 : i32
    %dma_start3A_63 = arith.constant 256 : i32
    %dma_start3A_64 = arith.constant 0 : i32
    %dma_start3A_65 = tpu.memref_slice %arg6[%dma_start3A_62, %dma_start3A_63, %dma_start3A_64] : memref<3x512x64xf32, #tpu.memory_space<vmem>> -> memref<1x128x64xf32, #tpu.memory_space<vmem>>
    %dma_start3A_66 = tpu.memref_squeeze %dma_start3A_65 : memref<1x128x64xf32, #tpu.memory_space<vmem>> -> memref<128x64xf32, #tpu.memory_space<vmem>>
    %dma_start3A_67 = arith.constant 768 : i32
    %dma_start3A_68 = tpu.memref_slice %arg5[%dma_start3A_67] : memref<25600xi32, #tpu.memory_space<vmem>> -> memref<128xi32, #tpu.memory_space<vmem>>
    %dma_start3A_69 = arith.constant 0 : i32
    %dma_start3A_70 = arith.constant 0 : i32
    %dma_start3A_71 = tpu.memref_slice %arg3[%dma_start3A_69, %dma_start3A_70] : memref<1000000x64xf32, #tpu.memory_space<hbm>> -> memref<1000000x64xf32, #tpu.memory_space<hbm>>
    tpu.enqueue_indirect_dma source(%dma_start3A_71 : memref<1000000x64xf32, #tpu.memory_space<hbm>>) target(%dma_start3A_66 : memref<128x64xf32, #tpu.memory_space<vmem>>) offsets(%dma_start3A_68 : memref<128xi32, #tpu.memory_space<vmem>>) semaphore(%arg8 : memref<!tpu.dma_semaphore, #tpu.memory_space<semaphore_mem>>)
    %dma_start3A_72 = arith.constant 1 : i32
    %dma_start3A_73 = arith.constant 384 : i32
    %dma_start3A_74 = arith.constant 0 : i32
    %dma_start3A_75 = tpu.memref_slice %arg6[%dma_start3A_72, %dma_start3A_73, %dma_start3A_74] : memref<3x512x64xf32, #tpu.memory_space<vmem>> -> memref<1x128x64xf32, #tpu.memory_space<vmem>>
    %dma_start3A_76 = tpu.memref_squeeze %dma_start3A_75 : memref<1x128x64xf32, #tpu.memory_space<vmem>> -> memref<128x64xf32, #tpu.memory_space<vmem>>
    %dma_start3A_77 = arith.constant 896 : i32
    %dma_start3A_78 = tpu.memref_slice %arg5[%dma_start3A_77] : memref<25600xi32, #tpu.memory_space<vmem>> -> memref<128xi32, #tpu.memory_space<vmem>>
    %dma_start3A_79 = arith.constant 0 : i32
    %dma_start3A_80 = arith.constant 0 : i32
    %dma_start3A_81 = tpu.memref_slice %arg3[%dma_start3A_79, %dma_start3A_80] : memref<1000000x64xf32, #tpu.memory_space<hbm>> -> memref<1000000x64xf32, #tpu.memory_space<hbm>>
    tpu.enqueue_indirect_dma source(%dma_start3A_81 : memref<1000000x64xf32, #tpu.memory_space<hbm>>) target(%dma_start3A_76 : memref<128x64xf32, #tpu.memory_space<vmem>>) offsets(%dma_start3A_78 : memref<128xi32, #tpu.memory_space<vmem>>) semaphore(%arg8 : memref<!tpu.dma_semaphore, #tpu.memory_space<semaphore_mem>>)
    %dma_wait3A = arith.constant 0 : i32
    %dma_wait3A_82 = arith.constant 0 : i32
    %dma_wait3A_83 = arith.constant 0 : i32
    %dma_wait3A_84 = tpu.memref_slice %arg6[%dma_wait3A, %dma_wait3A_82, %dma_wait3A_83] : memref<3x512x64xf32, #tpu.memory_space<vmem>> -> memref<1x512x64xf32, #tpu.memory_space<vmem>>
    %dma_wait3A_85 = tpu.memref_squeeze %dma_wait3A_84 : memref<1x512x64xf32, #tpu.memory_space<vmem>> -> memref<512x64xf32, #tpu.memory_space<vmem>>
    %dma_wait3A_86 = arith.constant 0 : i32
    %dma_wait3A_87 = tpu.memref_slice %arg4[%mul3A_2, %dma_wait3A_86] : memref<819200x128xf32, #tpu.memory_space<hbm>> -> memref<25600x128xf32, #tpu.memory_space<hbm>>
    %dma_wait3A_88 = arith.constant 0 : i32
    %dma_wait3A_89 = arith.constant 0 : i32
    %dma_wait3A_90 = tpu.memref_slice %dma_wait3A_87[%dma_wait3A_88, %dma_wait3A_89] : memref<25600x128xf32, #tpu.memory_space<hbm>> -> memref<512x64xf32, #tpu.memory_space<hbm>>
    %dma_wait3A_91 = arith.constant 0 : i32
    %dma_wait3A_92 = arith.constant 0 : i32
    %dma_wait3A_93 = tpu.memref_slice %arg6[%dma_wait3A, %dma_wait3A_91, %dma_wait3A_92] : memref<3x512x64xf32, #tpu.memory_space<vmem>> -> memref<1x512x64xf32, #tpu.memory_space<vmem>>
    %dma_wait3A_94 = tpu.memref_squeeze %dma_wait3A_93 : memref<1x512x64xf32, #tpu.memory_space<vmem>> -> memref<512x64xf32, #tpu.memory_space<vmem>>
    %dma_wait3A_95 = arith.constant 0 : i32
    %dma_wait3A_96 = tpu.memref_slice %arg4[%mul3A_2, %dma_wait3A_95] : memref<819200x128xf32, #tpu.memory_space<hbm>> -> memref<25600x128xf32, #tpu.memory_space<hbm>>
    %dma_wait3A_97 = arith.constant 0 : i32
    %dma_wait3A_98 = arith.constant 0 : i32
    %dma_wait3A_99 = tpu.memref_slice %dma_wait3A_96[%dma_wait3A_97, %dma_wait3A_98] : memref<25600x128xf32, #tpu.memory_space<hbm>> -> memref<512x64xf32, #tpu.memory_space<hbm>>
    tpu.wait_dma2 semaphore(%arg7 : memref<!tpu.dma_semaphore, #tpu.memory_space<semaphore_mem>>) src(%dma_wait3A_99 : memref<512x64xf32, #tpu.memory_space<hbm>>) dst(%dma_wait3A_94 : memref<512x64xf32, #tpu.memory_space<vmem>>)
    %dma_start3A_100 = arith.constant 0 : i32
    %dma_start3A_101 = arith.constant 0 : i32
    %dma_start3A_102 = arith.constant 0 : i32
    %dma_start3A_103 = tpu.memref_slice %arg6[%dma_start3A_100, %dma_start3A_101, %dma_start3A_102] : memref<3x512x64xf32, #tpu.memory_space<vmem>> -> memref<1x512x64xf32, #tpu.memory_space<vmem>>
    %dma_start3A_104 = tpu.memref_squeeze %dma_start3A_103 : memref<1x512x64xf32, #tpu.memory_space<vmem>> -> memref<512x64xf32, #tpu.memory_space<vmem>>
    %dma_start3A_105 = arith.constant 0 : i32
    %dma_start3A_106 = tpu.memref_slice %arg4[%mul3A_2, %dma_start3A_105] : memref<819200x128xf32, #tpu.memory_space<hbm>> -> memref<25600x128xf32, #tpu.memory_space<hbm>>
    %dma_start3A_107 = arith.constant 0 : i32
    %dma_start3A_108 = arith.constant 0 : i32
    %dma_start3A_109 = tpu.memref_slice %dma_start3A_106[%dma_start3A_107, %dma_start3A_108] : memref<25600x128xf32, #tpu.memory_space<hbm>> -> memref<512x64xf32, #tpu.memory_space<hbm>>
    %dma_start3A_110 = arith.constant 0 : i32
    %dma_start3A_111 = tpu.memref_slice %arg4[%mul3A_2, %dma_start3A_110] : memref<819200x128xf32, #tpu.memory_space<hbm>> -> memref<25600x128xf32, #tpu.memory_space<hbm>>
    %dma_start3A_112 = arith.constant 0 : i32
    %dma_start3A_113 = arith.constant 0 : i32
    %dma_start3A_114 = tpu.memref_slice %dma_start3A_111[%dma_start3A_112, %dma_start3A_113] : memref<25600x128xf32, #tpu.memory_space<hbm>> -> memref<512x64xf32, #tpu.memory_space<hbm>>
    %dma_start3A_115 = arith.constant 0 : i32
    %dma_start3A_116 = arith.constant 0 : i32
    %dma_start3A_117 = tpu.memref_slice %arg6[%dma_start3A_100, %dma_start3A_115, %dma_start3A_116] : memref<3x512x64xf32, #tpu.memory_space<vmem>> -> memref<1x512x64xf32, #tpu.memory_space<vmem>>
    %dma_start3A_118 = tpu.memref_squeeze %dma_start3A_117 : memref<1x512x64xf32, #tpu.memory_space<vmem>> -> memref<512x64xf32, #tpu.memory_space<vmem>>
    tpu.enqueue_dma source(%dma_start3A_118 : memref<512x64xf32, #tpu.memory_space<vmem>>) target(%dma_start3A_114 : memref<512x64xf32, #tpu.memory_space<hbm>>) target_semaphore(%arg10 : memref<!tpu.dma_semaphore, #tpu.memory_space<semaphore_mem>>)
    %dma_start3A_119 = arith.constant 2 : i32
    %dma_start3A_120 = arith.constant 0 : i32
    %dma_start3A_121 = arith.constant 0 : i32
    %dma_start3A_122 = tpu.memref_slice %arg6[%dma_start3A_119, %dma_start3A_120, %dma_start3A_121] : memref<3x512x64xf32, #tpu.memory_space<vmem>> -> memref<1x128x64xf32, #tpu.memory_space<vmem>>
    %dma_start3A_123 = tpu.memref_squeeze %dma_start3A_122 : memref<1x128x64xf32, #tpu.memory_space<vmem>> -> memref<128x64xf32, #tpu.memory_space<vmem>>
    %dma_start3A_124 = arith.constant 1024 : i32
    %dma_start3A_125 = tpu.memref_slice %arg5[%dma_start3A_124] : memref<25600xi32, #tpu.memory_space<vmem>> -> memref<128xi32, #tpu.memory_space<vmem>>
    %dma_start3A_126 = arith.constant 0 : i32
    %dma_start3A_127 = arith.constant 0 : i32
    %dma_start3A_128 = tpu.memref_slice %arg3[%dma_start3A_126, %dma_start3A_127] : memref<1000000x64xf32, #tpu.memory_space<hbm>> -> memref<1000000x64xf32, #tpu.memory_space<hbm>>
    tpu.enqueue_indirect_dma source(%dma_start3A_128 : memref<1000000x64xf32, #tpu.memory_space<hbm>>) target(%dma_start3A_123 : memref<128x64xf32, #tpu.memory_space<vmem>>) offsets(%dma_start3A_125 : memref<128xi32, #tpu.memory_space<vmem>>) semaphore(%arg9 : memref<!tpu.dma_semaphore, #tpu.memory_space<semaphore_mem>>)
    %dma_start3A_129 = arith.constant 2 : i32
    %dma_start3A_130 = arith.constant 128 : i32
    %dma_start3A_131 = arith.constant 0 : i32
    %dma_start3A_132 = tpu.memref_slice %arg6[%dma_start3A_129, %dma_start3A_130, %dma_start3A_131] : memref<3x512x64xf32, #tpu.memory_space<vmem>> -> memref<1x128x64xf32, #tpu.memory_space<vmem>>
    %dma_start3A_133 = tpu.memref_squeeze %dma_start3A_132 : memref<1x128x64xf32, #tpu.memory_space<vmem>> -> memref<128x64xf32, #tpu.memory_space<vmem>>
    %dma_start3A_134 = arith.constant 1152 : i32
    %dma_start3A_135 = tpu.memref_slice %arg5[%dma_start3A_134] : memref<25600xi32, #tpu.memory_space<vmem>> -> memref<128xi32, #tpu.memory_space<vmem>>
    %dma_start3A_136 = arith.constant 0 : i32
    %dma_start3A_137 = arith.constant 0 : i32
    %dma_start3A_138 = tpu.memref_slice %arg3[%dma_start3A_136, %dma_start3A_137] : memref<1000000x64xf32, #tpu.memory_space<hbm>> -> memref<1000000x64xf32, #tpu.memory_space<hbm>>
    tpu.enqueue_indirect_dma source(%dma_start3A_138 : memref<1000000x64xf32, #tpu.memory_space<hbm>>) target(%dma_start3A_133 : memref<128x64xf32, #tpu.memory_space<vmem>>) offsets(%dma_start3A_135 : memref<128xi32, #tpu.memory_space<vmem>>) semaphore(%arg9 : memref<!tpu.dma_semaphore, #tpu.memory_space<semaphore_mem>>)
    %dma_start3A_139 = arith.constant 2 : i32
    %dma_start3A_140 = arith.constant 256 : i32
    %dma_start3A_141 = arith.constant 0 : i32
    %dma_start3A_142 = tpu.memref_slice %arg6[%dma_start3A_139, %dma_start3A_140, %dma_start3A_141] : memref<3x512x64xf32, #tpu.memory_space<vmem>> -> memref<1x128x64xf32, #tpu.memory_space<vmem>>
    %dma_start3A_143 = tpu.memref_squeeze %dma_start3A_142 : memref<1x128x64xf32, #tpu.memory_space<vmem>> -> memref<128x64xf32, #tpu.memory_space<vmem>>
    %dma_start3A_144 = arith.constant 1280 : i32
    %dma_start3A_145 = tpu.memref_slice %arg5[%dma_start3A_144] : memref<25600xi32, #tpu.memory_space<vmem>> -> memref<128xi32, #tpu.memory_space<vmem>>
    %dma_start3A_146 = arith.constant 0 : i32
    %dma_start3A_147 = arith.constant 0 : i32
    %dma_start3A_148 = tpu.memref_slice %arg3[%dma_start3A_146, %dma_start3A_147] : memref<1000000x64xf32, #tpu.memory_space<hbm>> -> memref<1000000x64xf32, #tpu.memory_space<hbm>>
    tpu.enqueue_indirect_dma source(%dma_start3A_148 : memref<1000000x64xf32, #tpu.memory_space<hbm>>) target(%dma_start3A_143 : memref<128x64xf32, #tpu.memory_space<vmem>>) offsets(%dma_start3A_145 : memref<128xi32, #tpu.memory_space<vmem>>) semaphore(%arg9 : memref<!tpu.dma_semaphore, #tpu.memory_space<semaphore_mem>>)
    %dma_start3A_149 = arith.constant 2 : i32
    %dma_start3A_150 = arith.constant 384 : i32
    %dma_start3A_151 = arith.constant 0 : i32
    %dma_start3A_152 = tpu.memref_slice %arg6[%dma_start3A_149, %dma_start3A_150, %dma_start3A_151] : memref<3x512x64xf32, #tpu.memory_space<vmem>> -> memref<1x128x64xf32, #tpu.memory_space<vmem>>
    %dma_start3A_153 = tpu.memref_squeeze %dma_start3A_152 : memref<1x128x64xf32, #tpu.memory_space<vmem>> -> memref<128x64xf32, #tpu.memory_space<vmem>>
    %dma_start3A_154 = arith.constant 1408 : i32
    %dma_start3A_155 = tpu.memref_slice %arg5[%dma_start3A_154] : memref<25600xi32, #tpu.memory_space<vmem>> -> memref<128xi32, #tpu.memory_space<vmem>>
    %dma_start3A_156 = arith.constant 0 : i32
    %dma_start3A_157 = arith.constant 0 : i32
    %dma_start3A_158 = tpu.memref_slice %arg3[%dma_start3A_156, %dma_start3A_157] : memref<1000000x64xf32, #tpu.memory_space<hbm>> -> memref<1000000x64xf32, #tpu.memory_space<hbm>>
    tpu.enqueue_indirect_dma source(%dma_start3A_158 : memref<1000000x64xf32, #tpu.memory_space<hbm>>) target(%dma_start3A_153 : memref<128x64xf32, #tpu.memory_space<vmem>>) offsets(%dma_start3A_155 : memref<128xi32, #tpu.memory_space<vmem>>) semaphore(%arg9 : memref<!tpu.dma_semaphore, #tpu.memory_space<semaphore_mem>>)
    %dma_wait3A_159 = arith.constant 1 : i32
    %dma_wait3A_160 = arith.constant 0 : i32
    %dma_wait3A_161 = arith.constant 0 : i32
    %dma_wait3A_162 = tpu.memref_slice %arg6[%dma_wait3A_159, %dma_wait3A_160, %dma_wait3A_161] : memref<3x512x64xf32, #tpu.memory_space<vmem>> -> memref<1x512x64xf32, #tpu.memory_space<vmem>>
    %dma_wait3A_163 = tpu.memref_squeeze %dma_wait3A_162 : memref<1x512x64xf32, #tpu.memory_space<vmem>> -> memref<512x64xf32, #tpu.memory_space<vmem>>
    %dma_wait3A_164 = arith.constant 0 : i32
    %dma_wait3A_165 = tpu.memref_slice %arg4[%mul3A_2, %dma_wait3A_164] : memref<819200x128xf32, #tpu.memory_space<hbm>> -> memref<25600x128xf32, #tpu.memory_space<hbm>>
    %dma_wait3A_166 = arith.constant 0 : i32
    %dma_wait3A_167 = arith.constant 0 : i32
    %dma_wait3A_168 = tpu.memref_slice %dma_wait3A_165[%dma_wait3A_166, %dma_wait3A_167] : memref<25600x128xf32, #tpu.memory_space<hbm>> -> memref<512x64xf32, #tpu.memory_space<hbm>>
    %dma_wait3A_169 = arith.constant 0 : i32
    %dma_wait3A_170 = arith.constant 0 : i32
    %dma_wait3A_171 = tpu.memref_slice %arg6[%dma_wait3A_159, %dma_wait3A_169, %dma_wait3A_170] : memref<3x512x64xf32, #tpu.memory_space<vmem>> -> memref<1x512x64xf32, #tpu.memory_space<vmem>>
    %dma_wait3A_172 = tpu.memref_squeeze %dma_wait3A_171 : memref<1x512x64xf32, #tpu.memory_space<vmem>> -> memref<512x64xf32, #tpu.memory_space<vmem>>
    %dma_wait3A_173 = arith.constant 0 : i32
    %dma_wait3A_174 = tpu.memref_slice %arg4[%mul3A_2, %dma_wait3A_173] : memref<819200x128xf32, #tpu.memory_space<hbm>> -> memref<25600x128xf32, #tpu.memory_space<hbm>>
    %dma_wait3A_175 = arith.constant 0 : i32
    %dma_wait3A_176 = arith.constant 0 : i32
    %dma_wait3A_177 = tpu.memref_slice %dma_wait3A_174[%dma_wait3A_175, %dma_wait3A_176] : memref<25600x128xf32, #tpu.memory_space<hbm>> -> memref<512x64xf32, #tpu.memory_space<hbm>>
    tpu.wait_dma2 semaphore(%arg8 : memref<!tpu.dma_semaphore, #tpu.memory_space<semaphore_mem>>) src(%dma_wait3A_177 : memref<512x64xf32, #tpu.memory_space<hbm>>) dst(%dma_wait3A_172 : memref<512x64xf32, #tpu.memory_space<vmem>>)
    %dma_start3A_178 = arith.constant 1 : i32
    %dma_start3A_179 = arith.constant 0 : i32
    %dma_start3A_180 = arith.constant 0 : i32
    %dma_start3A_181 = tpu.memref_slice %arg6[%dma_start3A_178, %dma_start3A_179, %dma_start3A_180] : memref<3x512x64xf32, #tpu.memory_space<vmem>> -> memref<1x512x64xf32, #tpu.memory_space<vmem>>
    %dma_start3A_182 = tpu.memref_squeeze %dma_start3A_181 : memref<1x512x64xf32, #tpu.memory_space<vmem>> -> memref<512x64xf32, #tpu.memory_space<vmem>>
    %dma_start3A_183 = arith.constant 0 : i32
    %dma_start3A_184 = tpu.memref_slice %arg4[%mul3A_2, %dma_start3A_183] : memref<819200x128xf32, #tpu.memory_space<hbm>> -> memref<25600x128xf32, #tpu.memory_space<hbm>>
    %dma_start3A_185 = arith.constant 512 : i32
    %dma_start3A_186 = arith.constant 0 : i32
    %dma_start3A_187 = tpu.memref_slice %dma_start3A_184[%dma_start3A_185, %dma_start3A_186] : memref<25600x128xf32, #tpu.memory_space<hbm>> -> memref<512x64xf32, #tpu.memory_space<hbm>>
    %dma_start3A_188 = arith.constant 0 : i32
    %dma_start3A_189 = tpu.memref_slice %arg4[%mul3A_2, %dma_start3A_188] : memref<819200x128xf32, #tpu.memory_space<hbm>> -> memref<25600x128xf32, #tpu.memory_space<hbm>>
    %dma_start3A_190 = arith.constant 512 : i32
    %dma_start3A_191 = arith.constant 0 : i32
    %dma_start3A_192 = tpu.memref_slice %dma_start3A_189[%dma_start3A_190, %dma_start3A_191] : memref<25600x128xf32, #tpu.memory_space<hbm>> -> memref<512x64xf32, #tpu.memory_space<hbm>>
    %dma_start3A_193 = arith.constant 0 : i32
    %dma_start3A_194 = arith.constant 0 : i32
    %dma_start3A_195 = tpu.memref_slice %arg6[%dma_start3A_178, %dma_start3A_193, %dma_start3A_194] : memref<3x512x64xf32, #tpu.memory_space<vmem>> -> memref<1x512x64xf32, #tpu.memory_space<vmem>>
    %dma_start3A_196 = tpu.memref_squeeze %dma_start3A_195 : memref<1x512x64xf32, #tpu.memory_space<vmem>> -> memref<512x64xf32, #tpu.memory_space<vmem>>
    tpu.enqueue_dma source(%dma_start3A_196 : memref<512x64xf32, #tpu.memory_space<vmem>>) target(%dma_start3A_192 : memref<512x64xf32, #tpu.memory_space<hbm>>) target_semaphore(%arg11 : memref<!tpu.dma_semaphore, #tpu.memory_space<semaphore_mem>>)
    %dma_wait3A_197 = arith.constant 0 : i32
    %dma_wait3A_198 = arith.constant 0 : i32
    %dma_wait3A_199 = arith.constant 0 : i32
    %dma_wait3A_200 = tpu.memref_slice %arg6[%dma_wait3A_197, %dma_wait3A_198, %dma_wait3A_199] : memref<3x512x64xf32, #tpu.memory_space<vmem>> -> memref<1x512x64xf32, #tpu.memory_space<vmem>>
    %dma_wait3A_201 = tpu.memref_squeeze %dma_wait3A_200 : memref<1x512x64xf32, #tpu.memory_space<vmem>> -> memref<512x64xf32, #tpu.memory_space<vmem>>
    %dma_wait3A_202 = arith.constant 0 : i32
    %dma_wait3A_203 = tpu.memref_slice %arg4[%mul3A_2, %dma_wait3A_202] : memref<819200x128xf32, #tpu.memory_space<hbm>> -> memref<25600x128xf32, #tpu.memory_space<hbm>>
    %dma_wait3A_204 = arith.constant 0 : i32
    %dma_wait3A_205 = arith.constant 0 : i32
    %dma_wait3A_206 = tpu.memref_slice %dma_wait3A_203[%dma_wait3A_204, %dma_wait3A_205] : memref<25600x128xf32, #tpu.memory_space<hbm>> -> memref<512x64xf32, #tpu.memory_space<hbm>>
    %dma_wait3A_207 = arith.constant 0 : i32
    %dma_wait3A_208 = tpu.memref_slice %arg4[%mul3A_2, %dma_wait3A_207] : memref<819200x128xf32, #tpu.memory_space<hbm>> -> memref<25600x128xf32, #tpu.memory_space<hbm>>
    %dma_wait3A_209 = arith.constant 0 : i32
    %dma_wait3A_210 = arith.constant 0 : i32
    %dma_wait3A_211 = tpu.memref_slice %dma_wait3A_208[%dma_wait3A_209, %dma_wait3A_210] : memref<25600x128xf32, #tpu.memory_space<hbm>> -> memref<512x64xf32, #tpu.memory_space<hbm>>
    %dma_wait3A_212 = arith.constant 0 : i32
    %dma_wait3A_213 = arith.constant 0 : i32
    %dma_wait3A_214 = tpu.memref_slice %arg6[%dma_wait3A_197, %dma_wait3A_212, %dma_wait3A_213] : memref<3x512x64xf32, #tpu.memory_space<vmem>> -> memref<1x512x64xf32, #tpu.memory_space<vmem>>
    %dma_wait3A_215 = tpu.memref_squeeze %dma_wait3A_214 : memref<1x512x64xf32, #tpu.memory_space<vmem>> -> memref<512x64xf32, #tpu.memory_space<vmem>>
    tpu.wait_dma2 semaphore(%arg10 : memref<!tpu.dma_semaphore, #tpu.memory_space<semaphore_mem>>) src(%dma_wait3A_215 : memref<512x64xf32, #tpu.memory_space<vmem>>) dst(%dma_wait3A_211 : memref<512x64xf32, #tpu.memory_space<hbm>>)
    %dma_start3A_216 = arith.constant 0 : i32
    %dma_start3A_217 = arith.constant 0 : i32
    %dma_start3A_218 = arith.constant 0 : i32
    %dma_start3A_219 = tpu.memref_slice %arg6[%dma_start3A_216, %dma_start3A_217, %dma_start3A_218] : memref<3x512x64xf32, #tpu.memory_space<vmem>> -> memref<1x128x64xf32, #tpu.memory_space<vmem>>
    %dma_start3A_220 = tpu.memref_squeeze %dma_start3A_219 : memref<1x128x64xf32, #tpu.memory_space<vmem>> -> memref<128x64xf32, #tpu.memory_space<vmem>>
    %dma_start3A_221 = arith.constant 1536 : i32
    %dma_start3A_222 = tpu.memref_slice %arg5[%dma_start3A_221] : memref<25600xi32, #tpu.memory_space<vmem>> -> memref<128xi32, #tpu.memory_space<vmem>>
    %dma_start3A_223 = arith.constant 0 : i32
    %dma_start3A_224 = arith.constant 0 : i32
    %dma_start3A_225 = tpu.memref_slice %arg3[%dma_start3A_223, %dma_start3A_224] : memref<1000000x64xf32, #tpu.memory_space<hbm>> -> memref<1000000x64xf32, #tpu.memory_space<hbm>>
    tpu.enqueue_indirect_dma source(%dma_start3A_225 : memref<1000000x64xf32, #tpu.memory_space<hbm>>) target(%dma_start3A_220 : memref<128x64xf32, #tpu.memory_space<vmem>>) offsets(%dma_start3A_222 : memref<128xi32, #tpu.memory_space<vmem>>) semaphore(%arg7 : memref<!tpu.dma_semaphore, #tpu.memory_space<semaphore_mem>>)
    %dma_start3A_226 = arith.constant 0 : i32
    %dma_start3A_227 = arith.constant 128 : i32
    %dma_start3A_228 = arith.constant 0 : i32
    %dma_start3A_229 = tpu.memref_slice %arg6[%dma_start3A_226, %dma_start3A_227, %dma_start3A_228] : memref<3x512x64xf32, #tpu.memory_space<vmem>> -> memref<1x128x64xf32, #tpu.memory_space<vmem>>
    %dma_start3A_230 = tpu.memref_squeeze %dma_start3A_229 : memref<1x128x64xf32, #tpu.memory_space<vmem>> -> memref<128x64xf32, #tpu.memory_space<vmem>>
    %dma_start3A_231 = arith.constant 1664 : i32
    %dma_start3A_232 = tpu.memref_slice %arg5[%dma_start3A_231] : memref<25600xi32, #tpu.memory_space<vmem>> -> memref<128xi32, #tpu.memory_space<vmem>>
    %dma_start3A_233 = arith.constant 0 : i32
    %dma_start3A_234 = arith.constant 0 : i32
    %dma_start3A_235 = tpu.memref_slice %arg3[%dma_start3A_233, %dma_start3A_234] : memref<1000000x64xf32, #tpu.memory_space<hbm>> -> memref<1000000x64xf32, #tpu.memory_space<hbm>>
    tpu.enqueue_indirect_dma source(%dma_start3A_235 : memref<1000000x64xf32, #tpu.memory_space<hbm>>) target(%dma_start3A_230 : memref<128x64xf32, #tpu.memory_space<vmem>>) offsets(%dma_start3A_232 : memref<128xi32, #tpu.memory_space<vmem>>) semaphore(%arg7 : memref<!tpu.dma_semaphore, #tpu.memory_space<semaphore_mem>>)
    %dma_start3A_236 = arith.constant 0 : i32
    %dma_start3A_237 = arith.constant 256 : i32
    %dma_start3A_238 = arith.constant 0 : i32
    %dma_start3A_239 = tpu.memref_slice %arg6[%dma_start3A_236, %dma_start3A_237, %dma_start3A_238] : memref<3x512x64xf32, #tpu.memory_space<vmem>> -> memref<1x128x64xf32, #tpu.memory_space<vmem>>
    %dma_start3A_240 = tpu.memref_squeeze %dma_start3A_239 : memref<1x128x64xf32, #tpu.memory_space<vmem>> -> memref<128x64xf32, #tpu.memory_space<vmem>>
    %dma_start3A_241 = arith.constant 1792 : i32
    %dma_start3A_242 = tpu.memref_slice %arg5[%dma_start3A_241] : memref<25600xi32, #tpu.memory_space<vmem>> -> memref<128xi32, #tpu.memory_space<vmem>>
    %dma_start3A_243 = arith.constant 0 : i32
    %dma_start3A_244 = arith.constant 0 : i32
    %dma_start3A_245 = tpu.memref_slice %arg3[%dma_start3A_243, %dma_start3A_244] : memref<1000000x64xf32, #tpu.memory_space<hbm>> -> memref<1000000x64xf32, #tpu.memory_space<hbm>>
    tpu.enqueue_indirect_dma source(%dma_start3A_245 : memref<1000000x64xf32, #tpu.memory_space<hbm>>) target(%dma_start3A_240 : memref<128x64xf32, #tpu.memory_space<vmem>>) offsets(%dma_start3A_242 : memref<128xi32, #tpu.memory_space<vmem>>) semaphore(%arg7 : memref<!tpu.dma_semaphore, #tpu.memory_space<semaphore_mem>>)
    %dma_start3A_246 = arith.constant 0 : i32
    %dma_start3A_247 = arith.constant 384 : i32
    %dma_start3A_248 = arith.constant 0 : i32
    %dma_start3A_249 = tpu.memref_slice %arg6[%dma_start3A_246, %dma_start3A_247, %dma_start3A_248] : memref<3x512x64xf32, #tpu.memory_space<vmem>> -> memref<1x128x64xf32, #tpu.memory_space<vmem>>
    %dma_start3A_250 = tpu.memref_squeeze %dma_start3A_249 : memref<1x128x64xf32, #tpu.memory_space<vmem>> -> memref<128x64xf32, #tpu.memory_space<vmem>>
    %dma_start3A_251 = arith.constant 1920 : i32
    %dma_start3A_252 = tpu.memref_slice %arg5[%dma_start3A_251] : memref<25600xi32, #tpu.memory_space<vmem>> -> memref<128xi32, #tpu.memory_space<vmem>>
    %dma_start3A_253 = arith.constant 0 : i32
    %dma_start3A_254 = arith.constant 0 : i32
    %dma_start3A_255 = tpu.memref_slice %arg3[%dma_start3A_253, %dma_start3A_254] : memref<1000000x64xf32, #tpu.memory_space<hbm>> -> memref<1000000x64xf32, #tpu.memory_space<hbm>>
    tpu.enqueue_indirect_dma source(%dma_start3A_255 : memref<1000000x64xf32, #tpu.memory_space<hbm>>) target(%dma_start3A_250 : memref<128x64xf32, #tpu.memory_space<vmem>>) offsets(%dma_start3A_252 : memref<128xi32, #tpu.memory_space<vmem>>) semaphore(%arg7 : memref<!tpu.dma_semaphore, #tpu.memory_space<semaphore_mem>>)
    %dma_wait3A_256 = arith.constant 2 : i32
    %dma_wait3A_257 = arith.constant 0 : i32
    %dma_wait3A_258 = arith.constant 0 : i32
    %dma_wait3A_259 = tpu.memref_slice %arg6[%dma_wait3A_256, %dma_wait3A_257, %dma_wait3A_258] : memref<3x512x64xf32, #tpu.memory_space<vmem>> -> memref<1x512x64xf32, #tpu.memory_space<vmem>>
    %dma_wait3A_260 = tpu.memref_squeeze %dma_wait3A_259 : memref<1x512x64xf32, #tpu.memory_space<vmem>> -> memref<512x64xf32, #tpu.memory_space<vmem>>
    %dma_wait3A_261 = arith.constant 0 : i32
    %dma_wait3A_262 = tpu.memref_slice %arg4[%mul3A_2, %dma_wait3A_261] : memref<819200x128xf32, #tpu.memory_space<hbm>> -> memref<25600x128xf32, #tpu.memory_space<hbm>>
    %dma_wait3A_263 = arith.constant 0 : i32
    %dma_wait3A_264 = arith.constant 0 : i32
    %dma_wait3A_265 = tpu.memref_slice %dma_wait3A_262[%dma_wait3A_263, %dma_wait3A_264] : memref<25600x128xf32, #tpu.memory_space<hbm>> -> memref<512x64xf32, #tpu.memory_space<hbm>>
    %dma_wait3A_266 = arith.constant 0 : i32
    %dma_wait3A_267 = arith.constant 0 : i32
    %dma_wait3A_268 = tpu.memref_slice %arg6[%dma_wait3A_256, %dma_wait3A_266, %dma_wait3A_267] : memref<3x512x64xf32, #tpu.memory_space<vmem>> -> memref<1x512x64xf32, #tpu.memory_space<vmem>>
    %dma_wait3A_269 = tpu.memref_squeeze %dma_wait3A_268 : memref<1x512x64xf32, #tpu.memory_space<vmem>> -> memref<512x64xf32, #tpu.memory_space<vmem>>
    %dma_wait3A_270 = arith.constant 0 : i32
    %dma_wait3A_271 = tpu.memref_slice %arg4[%mul3A_2, %dma_wait3A_270] : memref<819200x128xf32, #tpu.memory_space<hbm>> -> memref<25600x128xf32, #tpu.memory_space<hbm>>
    %dma_wait3A_272 = arith.constant 0 : i32
    %dma_wait3A_273 = arith.constant 0 : i32
    %dma_wait3A_274 = tpu.memref_slice %dma_wait3A_271[%dma_wait3A_272, %dma_wait3A_273] : memref<25600x128xf32, #tpu.memory_space<hbm>> -> memref<512x64xf32, #tpu.memory_space<hbm>>
    tpu.wait_dma2 semaphore(%arg9 : memref<!tpu.dma_semaphore, #tpu.memory_space<semaphore_mem>>) src(%dma_wait3A_274 : memref<512x64xf32, #tpu.memory_space<hbm>>) dst(%dma_wait3A_269 : memref<512x64xf32, #tpu.memory_space<vmem>>)
    %dma_start3A_275 = arith.constant 2 : i32
    %dma_start3A_276 = arith.constant 0 : i32
    %dma_start3A_277 = arith.constant 0 : i32
    %dma_start3A_278 = tpu.memref_slice %arg6[%dma_start3A_275, %dma_start3A_276, %dma_start3A_277] : memref<3x512x64xf32, #tpu.memory_space<vmem>> -> memref<1x512x64xf32, #tpu.memory_space<vmem>>
    %dma_start3A_279 = tpu.memref_squeeze %dma_start3A_278 : memref<1x512x64xf32, #tpu.memory_space<vmem>> -> memref<512x64xf32, #tpu.memory_space<vmem>>
    %dma_start3A_280 = arith.constant 0 : i32
    %dma_start3A_281 = tpu.memref_slice %arg4[%mul3A_2, %dma_start3A_280] : memref<819200x128xf32, #tpu.memory_space<hbm>> -> memref<25600x128xf32, #tpu.memory_space<hbm>>
    %dma_start3A_282 = arith.constant 1024 : i32
    %dma_start3A_283 = arith.constant 0 : i32
    %dma_start3A_284 = tpu.memref_slice %dma_start3A_281[%dma_start3A_282, %dma_start3A_283] : memref<25600x128xf32, #tpu.memory_space<hbm>> -> memref<512x64xf32, #tpu.memory_space<hbm>>
    %dma_start3A_285 = arith.constant 0 : i32
    %dma_start3A_286 = tpu.memref_slice %arg4[%mul3A_2, %dma_start3A_285] : memref<819200x128xf32, #tpu.memory_space<hbm>> -> memref<25600x128xf32, #tpu.memory_space<hbm>>
    %dma_start3A_287 = arith.constant 1024 : i32
    %dma_start3A_288 = arith.constant 0 : i32
    %dma_start3A_289 = tpu.memref_slice %dma_start3A_286[%dma_start3A_287, %dma_start3A_288] : memref<25600x128xf32, #tpu.memory_space<hbm>> -> memref<512x64xf32, #tpu.memory_space<hbm>>
    %dma_start3A_290 = arith.constant 0 : i32
    %dma_start3A_291 = arith.constant 0 : i32
    %dma_start3A_292 = tpu.memref_slice %arg6[%dma_start3A_275, %dma_start3A_290, %dma_start3A_291] : memref<3x512x64xf32, #tpu.memory_space<vmem>> -> memref<1x512x64xf32, #tpu.memory_space<vmem>>
    %dma_start3A_293 = tpu.memref_squeeze %dma_start3A_292 : memref<1x512x64xf32, #tpu.memory_space<vmem>> -> memref<512x64xf32, #tpu.memory_space<vmem>>
    tpu.enqueue_dma source(%dma_start3A_293 : memref<512x64xf32, #tpu.memory_space<vmem>>) target(%dma_start3A_289 : memref<512x64xf32, #tpu.memory_space<hbm>>) target_semaphore(%arg12 : memref<!tpu.dma_semaphore, #tpu.memory_space<semaphore_mem>>)
    %dma_wait3A_294 = arith.constant 1 : i32
    %dma_wait3A_295 = arith.constant 0 : i32
    %dma_wait3A_296 = arith.constant 0 : i32
    %dma_wait3A_297 = tpu.memref_slice %arg6[%dma_wait3A_294, %dma_wait3A_295, %dma_wait3A_296] : memref<3x512x64xf32, #tpu.memory_space<vmem>> -> memref<1x512x64xf32, #tpu.memory_space<vmem>>
    %dma_wait3A_298 = tpu.memref_squeeze %dma_wait3A_297 : memref<1x512x64xf32, #tpu.memory_space<vmem>> -> memref<512x64xf32, #tpu.memory_space<vmem>>
    %dma_wait3A_299 = arith.constant 0 : i32
    %dma_wait3A_300 = tpu.memref_slice %arg4[%mul3A_2, %dma_wait3A_299] : memref<819200x128xf32, #tpu.memory_space<hbm>> -> memref<25600x128xf32, #tpu.memory_space<hbm>>
    %dma_wait3A_301 = arith.constant 0 : i32
    %dma_wait3A_302 = arith.constant 0 : i32
    %dma_wait3A_303 = tpu.memref_slice %dma_wait3A_300[%dma_wait3A_301, %dma_wait3A_302] : memref<25600x128xf32, #tpu.memory_space<hbm>> -> memref<512x64xf32, #tpu.memory_space<hbm>>
    %dma_wait3A_304 = arith.constant 0 : i32
    %dma_wait3A_305 = tpu.memref_slice %arg4[%mul3A_2, %dma_wait3A_304] : memref<819200x128xf32, #tpu.memory_space<hbm>> -> memref<25600x128xf32, #tpu.memory_space<hbm>>
    %dma_wait3A_306 = arith.constant 0 : i32
    %dma_wait3A_307 = arith.constant 0 : i32
    %dma_wait3A_308 = tpu.memref_slice %dma_wait3A_305[%dma_wait3A_306, %dma_wait3A_307] : memref<25600x128xf32, #tpu.memory_space<hbm>> -> memref<512x64xf32, #tpu.memory_space<hbm>>
    %dma_wait3A_309 = arith.constant 0 : i32
    %dma_wait3A_310 = arith.constant 0 : i32
    %dma_wait3A_311 = tpu.memref_slice %arg6[%dma_wait3A_294, %dma_wait3A_309, %dma_wait3A_310] : memref<3x512x64xf32, #tpu.memory_space<vmem>> -> memref<1x512x64xf32, #tpu.memory_space<vmem>>
    %dma_wait3A_312 = tpu.memref_squeeze %dma_wait3A_311 : memref<1x512x64xf32, #tpu.memory_space<vmem>> -> memref<512x64xf32, #tpu.memory_space<vmem>>
    tpu.wait_dma2 semaphore(%arg11 : memref<!tpu.dma_semaphore, #tpu.memory_space<semaphore_mem>>) src(%dma_wait3A_312 : memref<512x64xf32, #tpu.memory_space<vmem>>) dst(%dma_wait3A_308 : memref<512x64xf32, #tpu.memory_space<hbm>>)
    %dma_start3A_313 = arith.constant 1 : i32
    %dma_start3A_314 = arith.constant 0 : i32
    %dma_start3A_315 = arith.constant 0 : i32
    %dma_start3A_316 = tpu.memref_slice %arg6[%dma_start3A_313, %dma_start3A_314, %dma_start3A_315] : memref<3x512x64xf32, #tpu.memory_space<vmem>> -> memref<1x128x64xf32, #tpu.memory_space<vmem>>
    %dma_start3A_317 = tpu.memref_squeeze %dma_start3A_316 : memref<1x128x64xf32, #tpu.memory_space<vmem>> -> memref<128x64xf32, #tpu.memory_space<vmem>>
    %dma_start3A_318 = arith.constant 2048 : i32
    %dma_start3A_319 = tpu.memref_slice %arg5[%dma_start3A_318] : memref<25600xi32, #tpu.memory_space<vmem>> -> memref<128xi32, #tpu.memory_space<vmem>>
    %dma_start3A_320 = arith.constant 0 : i32
    %dma_start3A_321 = arith.constant 0 : i32
    %dma_start3A_322 = tpu.memref_slice %arg3[%dma_start3A_320, %dma_start3A_321] : memref<1000000x64xf32, #tpu.memory_space<hbm>> -> memref<1000000x64xf32, #tpu.memory_space<hbm>>
    tpu.enqueue_indirect_dma source(%dma_start3A_322 : memref<1000000x64xf32, #tpu.memory_space<hbm>>) target(%dma_start3A_317 : memref<128x64xf32, #tpu.memory_space<vmem>>) offsets(%dma_start3A_319 : memref<128xi32, #tpu.memory_space<vmem>>) semaphore(%arg8 : memref<!tpu.dma_semaphore, #tpu.memory_space<semaphore_mem>>)
    %dma_start3A_323 = arith.constant 1 : i32
    %dma_start3A_324 = arith.constant 128 : i32
    %dma_start3A_325 = arith.constant 0 : i32
    %dma_start3A_326 = tpu.memref_slice %arg6[%dma_start3A_323, %dma_start3A_324, %dma_start3A_325] : memref<3x512x64xf32, #tpu.memory_space<vmem>> -> memref<1x128x64xf32, #tpu.memory_space<vmem>>
    %dma_start3A_327 = tpu.memref_squeeze %dma_start3A_326 : memref<1x128x64xf32, #tpu.memory_space<vmem>> -> memref<128x64xf32, #tpu.memory_space<vmem>>
    %dma_start3A_328 = arith.constant 2176 : i32
    %dma_start3A_329 = tpu.memref_slice %arg5[%dma_start3A_328] : memref<25600xi32, #tpu.memory_space<vmem>> -> memref<128xi32, #tpu.memory_space<vmem>>
    %dma_start3A_330 = arith.constant 0 : i32
    %dma_start3A_331 = arith.constant 0 : i32
    %dma_start3A_332 = tpu.memref_slice %arg3[%dma_start3A_330, %dma_start3A_331] : memref<1000000x64xf32, #tpu.memory_space<hbm>> -> memref<1000000x64xf32, #tpu.memory_space<hbm>>
    tpu.enqueue_indirect_dma source(%dma_start3A_332 : memref<1000000x64xf32, #tpu.memory_space<hbm>>) target(%dma_start3A_327 : memref<128x64xf32, #tpu.memory_space<vmem>>) offsets(%dma_start3A_329 : memref<128xi32, #tpu.memory_space<vmem>>) semaphore(%arg8 : memref<!tpu.dma_semaphore, #tpu.memory_space<semaphore_mem>>)
    %dma_start3A_333 = arith.constant 1 : i32
    %dma_start3A_334 = arith.constant 256 : i32
    %dma_start3A_335 = arith.constant 0 : i32
    %dma_start3A_336 = tpu.memref_slice %arg6[%dma_start3A_333, %dma_start3A_334, %dma_start3A_335] : memref<3x512x64xf32, #tpu.memory_space<vmem>> -> memref<1x128x64xf32, #tpu.memory_space<vmem>>
    %dma_start3A_337 = tpu.memref_squeeze %dma_start3A_336 : memref<1x128x64xf32, #tpu.memory_space<vmem>> -> memref<128x64xf32, #tpu.memory_space<vmem>>
    %dma_start3A_338 = arith.constant 2304 : i32
    %dma_start3A_339 = tpu.memref_slice %arg5[%dma_start3A_338] : memref<25600xi32, #tpu.memory_space<vmem>> -> memref<128xi32, #tpu.memory_space<vmem>>
    %dma_start3A_340 = arith.constant 0 : i32
    %dma_start3A_341 = arith.constant 0 : i32
    %dma_start3A_342 = tpu.memref_slice %arg3[%dma_start3A_340, %dma_start3A_341] : memref<1000000x64xf32, #tpu.memory_space<hbm>> -> memref<1000000x64xf32, #tpu.memory_space<hbm>>
    tpu.enqueue_indirect_dma source(%dma_start3A_342 : memref<1000000x64xf32, #tpu.memory_space<hbm>>) target(%dma_start3A_337 : memref<128x64xf32, #tpu.memory_space<vmem>>) offsets(%dma_start3A_339 : memref<128xi32, #tpu.memory_space<vmem>>) semaphore(%arg8 : memref<!tpu.dma_semaphore, #tpu.memory_space<semaphore_mem>>)
    %dma_start3A_343 = arith.constant 1 : i32
    %dma_start3A_344 = arith.constant 384 : i32
    %dma_start3A_345 = arith.constant 0 : i32
    %dma_start3A_346 = tpu.memref_slice %arg6[%dma_start3A_343, %dma_start3A_344, %dma_start3A_345] : memref<3x512x64xf32, #tpu.memory_space<vmem>> -> memref<1x128x64xf32, #tpu.memory_space<vmem>>
    %dma_start3A_347 = tpu.memref_squeeze %dma_start3A_346 : memref<1x128x64xf32, #tpu.memory_space<vmem>> -> memref<128x64xf32, #tpu.memory_space<vmem>>
    %dma_start3A_348 = arith.constant 2432 : i32
    %dma_start3A_349 = tpu.memref_slice %arg5[%dma_start3A_348] : memref<25600xi32, #tpu.memory_space<vmem>> -> memref<128xi32, #tpu.memory_space<vmem>>
    %dma_start3A_350 = arith.constant 0 : i32
    %dma_start3A_351 = arith.constant 0 : i32
    %dma_start3A_352 = tpu.memref_slice %arg3[%dma_start3A_350, %dma_start3A_351] : memref<1000000x64xf32, #tpu.memory_space<hbm>> -> memref<1000000x64xf32, #tpu.memory_space<hbm>>
    tpu.enqueue_indirect_dma source(%dma_start3A_352 : memref<1000000x64xf32, #tpu.memory_space<hbm>>) target(%dma_start3A_347 : memref<128x64xf32, #tpu.memory_space<vmem>>) offsets(%dma_start3A_349 : memref<128xi32, #tpu.memory_space<vmem>>) semaphore(%arg8 : memref<!tpu.dma_semaphore, #tpu.memory_space<semaphore_mem>>)
    %scan3A = arith.constant 0 : i32
    %scan3A_353 = arith.constant 15 : i32
    %scan3A_354 = arith.addi %scan3A, %scan3A_353 : i32
    %scan3A_355 = arith.constant 1 : i32
    scf.for %scan3A_490 = %scan3A to %scan3A_354 step %scan3A_355  : i32 {
      %mul3A_491 = arith.constant 3 : i32
      %mul3A_492 = arith.muli %scan3A_490, %mul3A_491 : i32
      %add3A_493 = arith.constant 3 : i32
      %add3A_494 = arith.addi %add3A_493, %mul3A_492 : i32
      %add3A_495 = arith.constant 0 : i32
      %add3A_496 = arith.addi %add3A_494, %add3A_495 : i32
      %dma_wait3A_497 = arith.constant 0 : i32
      %dma_wait3A_498 = arith.constant 0 : i32
      %dma_wait3A_499 = arith.constant 0 : i32
      %dma_wait3A_500 = tpu.memref_slice %arg6[%dma_wait3A_497, %dma_wait3A_498, %dma_wait3A_499] : memref<3x512x64xf32, #tpu.memory_space<vmem>> -> memref<1x512x64xf32, #tpu.memory_space<vmem>>
      %dma_wait3A_501 = tpu.memref_squeeze %dma_wait3A_500 : memref<1x512x64xf32, #tpu.memory_space<vmem>> -> memref<512x64xf32, #tpu.memory_space<vmem>>
      %dma_wait3A_502 = arith.constant 0 : i32
      %dma_wait3A_503 = tpu.memref_slice %arg4[%mul3A_2, %dma_wait3A_502] : memref<819200x128xf32, #tpu.memory_space<hbm>> -> memref<25600x128xf32, #tpu.memory_space<hbm>>
      %dma_wait3A_504 = arith.constant 0 : i32
      %dma_wait3A_505 = arith.constant 0 : i32
      %dma_wait3A_506 = tpu.memref_slice %dma_wait3A_503[%dma_wait3A_504, %dma_wait3A_505] : memref<25600x128xf32, #tpu.memory_space<hbm>> -> memref<512x64xf32, #tpu.memory_space<hbm>>
      %dma_wait3A_507 = arith.constant 0 : i32
      %dma_wait3A_508 = arith.constant 0 : i32
      %dma_wait3A_509 = tpu.memref_slice %arg6[%dma_wait3A_497, %dma_wait3A_507, %dma_wait3A_508] : memref<3x512x64xf32, #tpu.memory_space<vmem>> -> memref<1x512x64xf32, #tpu.memory_space<vmem>>
      %dma_wait3A_510 = tpu.memref_squeeze %dma_wait3A_509 : memref<1x512x64xf32, #tpu.memory_space<vmem>> -> memref<512x64xf32, #tpu.memory_space<vmem>>
      %dma_wait3A_511 = arith.constant 0 : i32
      %dma_wait3A_512 = tpu.memref_slice %arg4[%mul3A_2, %dma_wait3A_511] : memref<819200x128xf32, #tpu.memory_space<hbm>> -> memref<25600x128xf32, #tpu.memory_space<hbm>>
      %dma_wait3A_513 = arith.constant 0 : i32
      %dma_wait3A_514 = arith.constant 0 : i32
      %dma_wait3A_515 = tpu.memref_slice %dma_wait3A_512[%dma_wait3A_513, %dma_wait3A_514] : memref<25600x128xf32, #tpu.memory_space<hbm>> -> memref<512x64xf32, #tpu.memory_space<hbm>>
      tpu.wait_dma2 semaphore(%arg7 : memref<!tpu.dma_semaphore, #tpu.memory_space<semaphore_mem>>) src(%dma_wait3A_515 : memref<512x64xf32, #tpu.memory_space<hbm>>) dst(%dma_wait3A_510 : memref<512x64xf32, #tpu.memory_space<vmem>>)
      %mul3A_516 = arith.constant 4 : i32
      %mul3A_517 = arith.muli %add3A_496, %mul3A_516 : i32
      %mul3A_518 = arith.constant 128 : i32
      %mul3A_519 = arith.muli %mul3A_517, %mul3A_518 : i32
      %dma_start3A_520 = arith.constant 0 : i32
      %dma_start3A_521 = arith.constant 0 : i32
      %dma_start3A_522 = arith.constant 0 : i32
      %dma_start3A_523 = tpu.memref_slice %arg6[%dma_start3A_520, %dma_start3A_521, %dma_start3A_522] : memref<3x512x64xf32, #tpu.memory_space<vmem>> -> memref<1x512x64xf32, #tpu.memory_space<vmem>>
      %dma_start3A_524 = tpu.memref_squeeze %dma_start3A_523 : memref<1x512x64xf32, #tpu.memory_space<vmem>> -> memref<512x64xf32, #tpu.memory_space<vmem>>
      %dma_start3A_525 = arith.constant 0 : i32
      %dma_start3A_526 = tpu.memref_slice %arg4[%mul3A_2, %dma_start3A_525] : memref<819200x128xf32, #tpu.memory_space<hbm>> -> memref<25600x128xf32, #tpu.memory_space<hbm>>
      %dma_start3A_527 = arith.constant 0 : i32
      %dma_start3A_528 = tpu.memref_slice %dma_start3A_526[%mul3A_519, %dma_start3A_527] : memref<25600x128xf32, #tpu.memory_space<hbm>> -> memref<512x64xf32, #tpu.memory_space<hbm>>
      %dma_start3A_529 = arith.constant 0 : i32
      %dma_start3A_530 = tpu.memref_slice %arg4[%mul3A_2, %dma_start3A_529] : memref<819200x128xf32, #tpu.memory_space<hbm>> -> memref<25600x128xf32, #tpu.memory_space<hbm>>
      %dma_start3A_531 = arith.constant 0 : i32
      %dma_start3A_532 = tpu.memref_slice %dma_start3A_530[%mul3A_519, %dma_start3A_531] : memref<25600x128xf32, #tpu.memory_space<hbm>> -> memref<512x64xf32, #tpu.memory_space<hbm>>
      %dma_start3A_533 = arith.constant 0 : i32
      %dma_start3A_534 = arith.constant 0 : i32
      %dma_start3A_535 = tpu.memref_slice %arg6[%dma_start3A_520, %dma_start3A_533, %dma_start3A_534] : memref<3x512x64xf32, #tpu.memory_space<vmem>> -> memref<1x512x64xf32, #tpu.memory_space<vmem>>
      %dma_start3A_536 = tpu.memref_squeeze %dma_start3A_535 : memref<1x512x64xf32, #tpu.memory_space<vmem>> -> memref<512x64xf32, #tpu.memory_space<vmem>>
      tpu.enqueue_dma source(%dma_start3A_536 : memref<512x64xf32, #tpu.memory_space<vmem>>) target(%dma_start3A_532 : memref<512x64xf32, #tpu.memory_space<hbm>>) target_semaphore(%arg10 : memref<!tpu.dma_semaphore, #tpu.memory_space<semaphore_mem>>)
      %dma_wait3A_537 = arith.constant 2 : i32
      %dma_wait3A_538 = arith.constant 0 : i32
      %dma_wait3A_539 = arith.constant 0 : i32
      %dma_wait3A_540 = tpu.memref_slice %arg6[%dma_wait3A_537, %dma_wait3A_538, %dma_wait3A_539] : memref<3x512x64xf32, #tpu.memory_space<vmem>> -> memref<1x512x64xf32, #tpu.memory_space<vmem>>
      %dma_wait3A_541 = tpu.memref_squeeze %dma_wait3A_540 : memref<1x512x64xf32, #tpu.memory_space<vmem>> -> memref<512x64xf32, #tpu.memory_space<vmem>>
      %dma_wait3A_542 = arith.constant 0 : i32
      %dma_wait3A_543 = tpu.memref_slice %arg4[%mul3A_2, %dma_wait3A_542] : memref<819200x128xf32, #tpu.memory_space<hbm>> -> memref<25600x128xf32, #tpu.memory_space<hbm>>
      %dma_wait3A_544 = arith.constant 0 : i32
      %dma_wait3A_545 = arith.constant 0 : i32
      %dma_wait3A_546 = tpu.memref_slice %dma_wait3A_543[%dma_wait3A_544, %dma_wait3A_545] : memref<25600x128xf32, #tpu.memory_space<hbm>> -> memref<512x64xf32, #tpu.memory_space<hbm>>
      %dma_wait3A_547 = arith.constant 0 : i32
      %dma_wait3A_548 = tpu.memref_slice %arg4[%mul3A_2, %dma_wait3A_547] : memref<819200x128xf32, #tpu.memory_space<hbm>> -> memref<25600x128xf32, #tpu.memory_space<hbm>>
      %dma_wait3A_549 = arith.constant 0 : i32
      %dma_wait3A_550 = arith.constant 0 : i32
      %dma_wait3A_551 = tpu.memref_slice %dma_wait3A_548[%dma_wait3A_549, %dma_wait3A_550] : memref<25600x128xf32, #tpu.memory_space<hbm>> -> memref<512x64xf32, #tpu.memory_space<hbm>>
      %dma_wait3A_552 = arith.constant 0 : i32
      %dma_wait3A_553 = arith.constant 0 : i32
      %dma_wait3A_554 = tpu.memref_slice %arg6[%dma_wait3A_537, %dma_wait3A_552, %dma_wait3A_553] : memref<3x512x64xf32, #tpu.memory_space<vmem>> -> memref<1x512x64xf32, #tpu.memory_space<vmem>>
      %dma_wait3A_555 = tpu.memref_squeeze %dma_wait3A_554 : memref<1x512x64xf32, #tpu.memory_space<vmem>> -> memref<512x64xf32, #tpu.memory_space<vmem>>
      tpu.wait_dma2 semaphore(%arg12 : memref<!tpu.dma_semaphore, #tpu.memory_space<semaphore_mem>>) src(%dma_wait3A_555 : memref<512x64xf32, #tpu.memory_space<vmem>>) dst(%dma_wait3A_551 : memref<512x64xf32, #tpu.memory_space<hbm>>)
      %add3A_556 = arith.constant 2 : i32
      %add3A_557 = arith.addi %add3A_496, %add3A_556 : i32
      %mul3A_558 = arith.constant 4 : i32
      %mul3A_559 = arith.muli %add3A_557, %mul3A_558 : i32
      %add3A_560 = arith.constant 0 : i32
      %add3A_561 = arith.addi %mul3A_559, %add3A_560 : i32
      %mul3A_562 = arith.constant 128 : i32
      %mul3A_563 = arith.muli %add3A_561, %mul3A_562 : i32
      %dma_start3A_564 = arith.constant 2 : i32
      %dma_start3A_565 = arith.constant 0 : i32
      %dma_start3A_566 = arith.constant 0 : i32
      %dma_start3A_567 = tpu.memref_slice %arg6[%dma_start3A_564, %dma_start3A_565, %dma_start3A_566] : memref<3x512x64xf32, #tpu.memory_space<vmem>> -> memref<1x128x64xf32, #tpu.memory_space<vmem>>
      %dma_start3A_568 = tpu.memref_squeeze %dma_start3A_567 : memref<1x128x64xf32, #tpu.memory_space<vmem>> -> memref<128x64xf32, #tpu.memory_space<vmem>>
      %dma_start3A_569 = tpu.memref_slice %arg5[%mul3A_563] : memref<25600xi32, #tpu.memory_space<vmem>> -> memref<128xi32, #tpu.memory_space<vmem>>
      %dma_start3A_570 = arith.constant 0 : i32
      %dma_start3A_571 = arith.constant 0 : i32
      %dma_start3A_572 = tpu.memref_slice %arg3[%dma_start3A_570, %dma_start3A_571] : memref<1000000x64xf32, #tpu.memory_space<hbm>> -> memref<1000000x64xf32, #tpu.memory_space<hbm>>
      tpu.enqueue_indirect_dma source(%dma_start3A_572 : memref<1000000x64xf32, #tpu.memory_space<hbm>>) target(%dma_start3A_568 : memref<128x64xf32, #tpu.memory_space<vmem>>) offsets(%dma_start3A_569 : memref<128xi32, #tpu.memory_space<vmem>>) semaphore(%arg9 : memref<!tpu.dma_semaphore, #tpu.memory_space<semaphore_mem>>)
      %mul3A_573 = arith.constant 4 : i32
      %mul3A_574 = arith.muli %add3A_557, %mul3A_573 : i32
      %add3A_575 = arith.constant 1 : i32
      %add3A_576 = arith.addi %mul3A_574, %add3A_575 : i32
      %mul3A_577 = arith.constant 128 : i32
      %mul3A_578 = arith.muli %add3A_576, %mul3A_577 : i32
      %dma_start3A_579 = arith.constant 2 : i32
      %dma_start3A_580 = arith.constant 128 : i32
      %dma_start3A_581 = arith.constant 0 : i32
      %dma_start3A_582 = tpu.memref_slice %arg6[%dma_start3A_579, %dma_start3A_580, %dma_start3A_581] : memref<3x512x64xf32, #tpu.memory_space<vmem>> -> memref<1x128x64xf32, #tpu.memory_space<vmem>>
      %dma_start3A_583 = tpu.memref_squeeze %dma_start3A_582 : memref<1x128x64xf32, #tpu.memory_space<vmem>> -> memref<128x64xf32, #tpu.memory_space<vmem>>
      %dma_start3A_584 = tpu.memref_slice %arg5[%mul3A_578] : memref<25600xi32, #tpu.memory_space<vmem>> -> memref<128xi32, #tpu.memory_space<vmem>>
      %dma_start3A_585 = arith.constant 0 : i32
      %dma_start3A_586 = arith.constant 0 : i32
      %dma_start3A_587 = tpu.memref_slice %arg3[%dma_start3A_585, %dma_start3A_586] : memref<1000000x64xf32, #tpu.memory_space<hbm>> -> memref<1000000x64xf32, #tpu.memory_space<hbm>>
      tpu.enqueue_indirect_dma source(%dma_start3A_587 : memref<1000000x64xf32, #tpu.memory_space<hbm>>) target(%dma_start3A_583 : memref<128x64xf32, #tpu.memory_space<vmem>>) offsets(%dma_start3A_584 : memref<128xi32, #tpu.memory_space<vmem>>) semaphore(%arg9 : memref<!tpu.dma_semaphore, #tpu.memory_space<semaphore_mem>>)
      %mul3A_588 = arith.constant 4 : i32
      %mul3A_589 = arith.muli %add3A_557, %mul3A_588 : i32
      %add3A_590 = arith.constant 2 : i32
      %add3A_591 = arith.addi %mul3A_589, %add3A_590 : i32
      %mul3A_592 = arith.constant 128 : i32
      %mul3A_593 = arith.muli %add3A_591, %mul3A_592 : i32
      %dma_start3A_594 = arith.constant 2 : i32
      %dma_start3A_595 = arith.constant 256 : i32
      %dma_start3A_596 = arith.constant 0 : i32
      %dma_start3A_597 = tpu.memref_slice %arg6[%dma_start3A_594, %dma_start3A_595, %dma_start3A_596] : memref<3x512x64xf32, #tpu.memory_space<vmem>> -> memref<1x128x64xf32, #tpu.memory_space<vmem>>
      %dma_start3A_598 = tpu.memref_squeeze %dma_start3A_597 : memref<1x128x64xf32, #tpu.memory_space<vmem>> -> memref<128x64xf32, #tpu.memory_space<vmem>>
      %dma_start3A_599 = tpu.memref_slice %arg5[%mul3A_593] : memref<25600xi32, #tpu.memory_space<vmem>> -> memref<128xi32, #tpu.memory_space<vmem>>
      %dma_start3A_600 = arith.constant 0 : i32
      %dma_start3A_601 = arith.constant 0 : i32
      %dma_start3A_602 = tpu.memref_slice %arg3[%dma_start3A_600, %dma_start3A_601] : memref<1000000x64xf32, #tpu.memory_space<hbm>> -> memref<1000000x64xf32, #tpu.memory_space<hbm>>
      tpu.enqueue_indirect_dma source(%dma_start3A_602 : memref<1000000x64xf32, #tpu.memory_space<hbm>>) target(%dma_start3A_598 : memref<128x64xf32, #tpu.memory_space<vmem>>) offsets(%dma_start3A_599 : memref<128xi32, #tpu.memory_space<vmem>>) semaphore(%arg9 : memref<!tpu.dma_semaphore, #tpu.memory_space<semaphore_mem>>)
      %mul3A_603 = arith.constant 4 : i32
      %mul3A_604 = arith.muli %add3A_557, %mul3A_603 : i32
      %add3A_605 = arith.constant 3 : i32
      %add3A_606 = arith.addi %mul3A_604, %add3A_605 : i32
      %mul3A_607 = arith.constant 128 : i32
      %mul3A_608 = arith.muli %add3A_606, %mul3A_607 : i32
      %dma_start3A_609 = arith.constant 2 : i32
      %dma_start3A_610 = arith.constant 384 : i32
      %dma_start3A_611 = arith.constant 0 : i32
      %dma_start3A_612 = tpu.memref_slice %arg6[%dma_start3A_609, %dma_start3A_610, %dma_start3A_611] : memref<3x512x64xf32, #tpu.memory_space<vmem>> -> memref<1x128x64xf32, #tpu.memory_space<vmem>>
      %dma_start3A_613 = tpu.memref_squeeze %dma_start3A_612 : memref<1x128x64xf32, #tpu.memory_space<vmem>> -> memref<128x64xf32, #tpu.memory_space<vmem>>
      %dma_start3A_614 = tpu.memref_slice %arg5[%mul3A_608] : memref<25600xi32, #tpu.memory_space<vmem>> -> memref<128xi32, #tpu.memory_space<vmem>>
      %dma_start3A_615 = arith.constant 0 : i32
      %dma_start3A_616 = arith.constant 0 : i32
      %dma_start3A_617 = tpu.memref_slice %arg3[%dma_start3A_615, %dma_start3A_616] : memref<1000000x64xf32, #tpu.memory_space<hbm>> -> memref<1000000x64xf32, #tpu.memory_space<hbm>>
      tpu.enqueue_indirect_dma source(%dma_start3A_617 : memref<1000000x64xf32, #tpu.memory_space<hbm>>) target(%dma_start3A_613 : memref<128x64xf32, #tpu.memory_space<vmem>>) offsets(%dma_start3A_614 : memref<128xi32, #tpu.memory_space<vmem>>) semaphore(%arg9 : memref<!tpu.dma_semaphore, #tpu.memory_space<semaphore_mem>>)
      %add3A_618 = arith.constant 1 : i32
      %add3A_619 = arith.addi %add3A_494, %add3A_618 : i32
      %dma_wait3A_620 = arith.constant 1 : i32
      %dma_wait3A_621 = arith.constant 0 : i32
      %dma_wait3A_622 = arith.constant 0 : i32
      %dma_wait3A_623 = tpu.memref_slice %arg6[%dma_wait3A_620, %dma_wait3A_621, %dma_wait3A_622] : memref<3x512x64xf32, #tpu.memory_space<vmem>> -> memref<1x512x64xf32, #tpu.memory_space<vmem>>
      %dma_wait3A_624 = tpu.memref_squeeze %dma_wait3A_623 : memref<1x512x64xf32, #tpu.memory_space<vmem>> -> memref<512x64xf32, #tpu.memory_space<vmem>>
      %dma_wait3A_625 = arith.constant 0 : i32
      %dma_wait3A_626 = tpu.memref_slice %arg4[%mul3A_2, %dma_wait3A_625] : memref<819200x128xf32, #tpu.memory_space<hbm>> -> memref<25600x128xf32, #tpu.memory_space<hbm>>
      %dma_wait3A_627 = arith.constant 0 : i32
      %dma_wait3A_628 = arith.constant 0 : i32
      %dma_wait3A_629 = tpu.memref_slice %dma_wait3A_626[%dma_wait3A_627, %dma_wait3A_628] : memref<25600x128xf32, #tpu.memory_space<hbm>> -> memref<512x64xf32, #tpu.memory_space<hbm>>
      %dma_wait3A_630 = arith.constant 0 : i32
      %dma_wait3A_631 = arith.constant 0 : i32
      %dma_wait3A_632 = tpu.memref_slice %arg6[%dma_wait3A_620, %dma_wait3A_630, %dma_wait3A_631] : memref<3x512x64xf32, #tpu.memory_space<vmem>> -> memref<1x512x64xf32, #tpu.memory_space<vmem>>
      %dma_wait3A_633 = tpu.memref_squeeze %dma_wait3A_632 : memref<1x512x64xf32, #tpu.memory_space<vmem>> -> memref<512x64xf32, #tpu.memory_space<vmem>>
      %dma_wait3A_634 = arith.constant 0 : i32
      %dma_wait3A_635 = tpu.memref_slice %arg4[%mul3A_2, %dma_wait3A_634] : memref<819200x128xf32, #tpu.memory_space<hbm>> -> memref<25600x128xf32, #tpu.memory_space<hbm>>
      %dma_wait3A_636 = arith.constant 0 : i32
      %dma_wait3A_637 = arith.constant 0 : i32
      %dma_wait3A_638 = tpu.memref_slice %dma_wait3A_635[%dma_wait3A_636, %dma_wait3A_637] : memref<25600x128xf32, #tpu.memory_space<hbm>> -> memref<512x64xf32, #tpu.memory_space<hbm>>
      tpu.wait_dma2 semaphore(%arg8 : memref<!tpu.dma_semaphore, #tpu.memory_space<semaphore_mem>>) src(%dma_wait3A_638 : memref<512x64xf32, #tpu.memory_space<hbm>>) dst(%dma_wait3A_633 : memref<512x64xf32, #tpu.memory_space<vmem>>)
      %mul3A_639 = arith.constant 4 : i32
      %mul3A_640 = arith.muli %add3A_619, %mul3A_639 : i32
      %mul3A_641 = arith.constant 128 : i32
      %mul3A_642 = arith.muli %mul3A_640, %mul3A_641 : i32
      %dma_start3A_643 = arith.constant 1 : i32
      %dma_start3A_644 = arith.constant 0 : i32
      %dma_start3A_645 = arith.constant 0 : i32
      %dma_start3A_646 = tpu.memref_slice %arg6[%dma_start3A_643, %dma_start3A_644, %dma_start3A_645] : memref<3x512x64xf32, #tpu.memory_space<vmem>> -> memref<1x512x64xf32, #tpu.memory_space<vmem>>
      %dma_start3A_647 = tpu.memref_squeeze %dma_start3A_646 : memref<1x512x64xf32, #tpu.memory_space<vmem>> -> memref<512x64xf32, #tpu.memory_space<vmem>>
      %dma_start3A_648 = arith.constant 0 : i32
      %dma_start3A_649 = tpu.memref_slice %arg4[%mul3A_2, %dma_start3A_648] : memref<819200x128xf32, #tpu.memory_space<hbm>> -> memref<25600x128xf32, #tpu.memory_space<hbm>>
      %dma_start3A_650 = arith.constant 0 : i32
      %dma_start3A_651 = tpu.memref_slice %dma_start3A_649[%mul3A_642, %dma_start3A_650] : memref<25600x128xf32, #tpu.memory_space<hbm>> -> memref<512x64xf32, #tpu.memory_space<hbm>>
      %dma_start3A_652 = arith.constant 0 : i32
      %dma_start3A_653 = tpu.memref_slice %arg4[%mul3A_2, %dma_start3A_652] : memref<819200x128xf32, #tpu.memory_space<hbm>> -> memref<25600x128xf32, #tpu.memory_space<hbm>>
      %dma_start3A_654 = arith.constant 0 : i32
      %dma_start3A_655 = tpu.memref_slice %dma_start3A_653[%mul3A_642, %dma_start3A_654] : memref<25600x128xf32, #tpu.memory_space<hbm>> -> memref<512x64xf32, #tpu.memory_space<hbm>>
      %dma_start3A_656 = arith.constant 0 : i32
      %dma_start3A_657 = arith.constant 0 : i32
      %dma_start3A_658 = tpu.memref_slice %arg6[%dma_start3A_643, %dma_start3A_656, %dma_start3A_657] : memref<3x512x64xf32, #tpu.memory_space<vmem>> -> memref<1x512x64xf32, #tpu.memory_space<vmem>>
      %dma_start3A_659 = tpu.memref_squeeze %dma_start3A_658 : memref<1x512x64xf32, #tpu.memory_space<vmem>> -> memref<512x64xf32, #tpu.memory_space<vmem>>
      tpu.enqueue_dma source(%dma_start3A_659 : memref<512x64xf32, #tpu.memory_space<vmem>>) target(%dma_start3A_655 : memref<512x64xf32, #tpu.memory_space<hbm>>) target_semaphore(%arg11 : memref<!tpu.dma_semaphore, #tpu.memory_space<semaphore_mem>>)
      %dma_wait3A_660 = arith.constant 0 : i32
      %dma_wait3A_661 = arith.constant 0 : i32
      %dma_wait3A_662 = arith.constant 0 : i32
      %dma_wait3A_663 = tpu.memref_slice %arg6[%dma_wait3A_660, %dma_wait3A_661, %dma_wait3A_662] : memref<3x512x64xf32, #tpu.memory_space<vmem>> -> memref<1x512x64xf32, #tpu.memory_space<vmem>>
      %dma_wait3A_664 = tpu.memref_squeeze %dma_wait3A_663 : memref<1x512x64xf32, #tpu.memory_space<vmem>> -> memref<512x64xf32, #tpu.memory_space<vmem>>
      %dma_wait3A_665 = arith.constant 0 : i32
      %dma_wait3A_666 = tpu.memref_slice %arg4[%mul3A_2, %dma_wait3A_665] : memref<819200x128xf32, #tpu.memory_space<hbm>> -> memref<25600x128xf32, #tpu.memory_space<hbm>>
      %dma_wait3A_667 = arith.constant 0 : i32
      %dma_wait3A_668 = arith.constant 0 : i32
      %dma_wait3A_669 = tpu.memref_slice %dma_wait3A_666[%dma_wait3A_667, %dma_wait3A_668] : memref<25600x128xf32, #tpu.memory_space<hbm>> -> memref<512x64xf32, #tpu.memory_space<hbm>>
      %dma_wait3A_670 = arith.constant 0 : i32
      %dma_wait3A_671 = tpu.memref_slice %arg4[%mul3A_2, %dma_wait3A_670] : memref<819200x128xf32, #tpu.memory_space<hbm>> -> memref<25600x128xf32, #tpu.memory_space<hbm>>
      %dma_wait3A_672 = arith.constant 0 : i32
      %dma_wait3A_673 = arith.constant 0 : i32
      %dma_wait3A_674 = tpu.memref_slice %dma_wait3A_671[%dma_wait3A_672, %dma_wait3A_673] : memref<25600x128xf32, #tpu.memory_space<hbm>> -> memref<512x64xf32, #tpu.memory_space<hbm>>
      %dma_wait3A_675 = arith.constant 0 : i32
      %dma_wait3A_676 = arith.constant 0 : i32
      %dma_wait3A_677 = tpu.memref_slice %arg6[%dma_wait3A_660, %dma_wait3A_675, %dma_wait3A_676] : memref<3x512x64xf32, #tpu.memory_space<vmem>> -> memref<1x512x64xf32, #tpu.memory_space<vmem>>
      %dma_wait3A_678 = tpu.memref_squeeze %dma_wait3A_677 : memref<1x512x64xf32, #tpu.memory_space<vmem>> -> memref<512x64xf32, #tpu.memory_space<vmem>>
      tpu.wait_dma2 semaphore(%arg10 : memref<!tpu.dma_semaphore, #tpu.memory_space<semaphore_mem>>) src(%dma_wait3A_678 : memref<512x64xf32, #tpu.memory_space<vmem>>) dst(%dma_wait3A_674 : memref<512x64xf32, #tpu.memory_space<hbm>>)
      %add3A_679 = arith.constant 2 : i32
      %add3A_680 = arith.addi %add3A_619, %add3A_679 : i32
      %mul3A_681 = arith.constant 4 : i32
      %mul3A_682 = arith.muli %add3A_680, %mul3A_681 : i32
      %add3A_683 = arith.constant 0 : i32
      %add3A_684 = arith.addi %mul3A_682, %add3A_683 : i32
      %mul3A_685 = arith.constant 128 : i32
      %mul3A_686 = arith.muli %add3A_684, %mul3A_685 : i32
      %dma_start3A_687 = arith.constant 0 : i32
      %dma_start3A_688 = arith.constant 0 : i32
      %dma_start3A_689 = arith.constant 0 : i32
      %dma_start3A_690 = tpu.memref_slice %arg6[%dma_start3A_687, %dma_start3A_688, %dma_start3A_689] : memref<3x512x64xf32, #tpu.memory_space<vmem>> -> memref<1x128x64xf32, #tpu.memory_space<vmem>>
      %dma_start3A_691 = tpu.memref_squeeze %dma_start3A_690 : memref<1x128x64xf32, #tpu.memory_space<vmem>> -> memref<128x64xf32, #tpu.memory_space<vmem>>
      %dma_start3A_692 = tpu.memref_slice %arg5[%mul3A_686] : memref<25600xi32, #tpu.memory_space<vmem>> -> memref<128xi32, #tpu.memory_space<vmem>>
      %dma_start3A_693 = arith.constant 0 : i32
      %dma_start3A_694 = arith.constant 0 : i32
      %dma_start3A_695 = tpu.memref_slice %arg3[%dma_start3A_693, %dma_start3A_694] : memref<1000000x64xf32, #tpu.memory_space<hbm>> -> memref<1000000x64xf32, #tpu.memory_space<hbm>>
      tpu.enqueue_indirect_dma source(%dma_start3A_695 : memref<1000000x64xf32, #tpu.memory_space<hbm>>) target(%dma_start3A_691 : memref<128x64xf32, #tpu.memory_space<vmem>>) offsets(%dma_start3A_692 : memref<128xi32, #tpu.memory_space<vmem>>) semaphore(%arg7 : memref<!tpu.dma_semaphore, #tpu.memory_space<semaphore_mem>>)
      %mul3A_696 = arith.constant 4 : i32
      %mul3A_697 = arith.muli %add3A_680, %mul3A_696 : i32
      %add3A_698 = arith.constant 1 : i32
      %add3A_699 = arith.addi %mul3A_697, %add3A_698 : i32
      %mul3A_700 = arith.constant 128 : i32
      %mul3A_701 = arith.muli %add3A_699, %mul3A_700 : i32
      %dma_start3A_702 = arith.constant 0 : i32
      %dma_start3A_703 = arith.constant 128 : i32
      %dma_start3A_704 = arith.constant 0 : i32
      %dma_start3A_705 = tpu.memref_slice %arg6[%dma_start3A_702, %dma_start3A_703, %dma_start3A_704] : memref<3x512x64xf32, #tpu.memory_space<vmem>> -> memref<1x128x64xf32, #tpu.memory_space<vmem>>
      %dma_start3A_706 = tpu.memref_squeeze %dma_start3A_705 : memref<1x128x64xf32, #tpu.memory_space<vmem>> -> memref<128x64xf32, #tpu.memory_space<vmem>>
      %dma_start3A_707 = tpu.memref_slice %arg5[%mul3A_701] : memref<25600xi32, #tpu.memory_space<vmem>> -> memref<128xi32, #tpu.memory_space<vmem>>
      %dma_start3A_708 = arith.constant 0 : i32
      %dma_start3A_709 = arith.constant 0 : i32
      %dma_start3A_710 = tpu.memref_slice %arg3[%dma_start3A_708, %dma_start3A_709] : memref<1000000x64xf32, #tpu.memory_space<hbm>> -> memref<1000000x64xf32, #tpu.memory_space<hbm>>
      tpu.enqueue_indirect_dma source(%dma_start3A_710 : memref<1000000x64xf32, #tpu.memory_space<hbm>>) target(%dma_start3A_706 : memref<128x64xf32, #tpu.memory_space<vmem>>) offsets(%dma_start3A_707 : memref<128xi32, #tpu.memory_space<vmem>>) semaphore(%arg7 : memref<!tpu.dma_semaphore, #tpu.memory_space<semaphore_mem>>)
      %mul3A_711 = arith.constant 4 : i32
      %mul3A_712 = arith.muli %add3A_680, %mul3A_711 : i32
      %add3A_713 = arith.constant 2 : i32
      %add3A_714 = arith.addi %mul3A_712, %add3A_713 : i32
      %mul3A_715 = arith.constant 128 : i32
      %mul3A_716 = arith.muli %add3A_714, %mul3A_715 : i32
      %dma_start3A_717 = arith.constant 0 : i32
      %dma_start3A_718 = arith.constant 256 : i32
      %dma_start3A_719 = arith.constant 0 : i32
      %dma_start3A_720 = tpu.memref_slice %arg6[%dma_start3A_717, %dma_start3A_718, %dma_start3A_719] : memref<3x512x64xf32, #tpu.memory_space<vmem>> -> memref<1x128x64xf32, #tpu.memory_space<vmem>>
      %dma_start3A_721 = tpu.memref_squeeze %dma_start3A_720 : memref<1x128x64xf32, #tpu.memory_space<vmem>> -> memref<128x64xf32, #tpu.memory_space<vmem>>
      %dma_start3A_722 = tpu.memref_slice %arg5[%mul3A_716] : memref<25600xi32, #tpu.memory_space<vmem>> -> memref<128xi32, #tpu.memory_space<vmem>>
      %dma_start3A_723 = arith.constant 0 : i32
      %dma_start3A_724 = arith.constant 0 : i32
      %dma_start3A_725 = tpu.memref_slice %arg3[%dma_start3A_723, %dma_start3A_724] : memref<1000000x64xf32, #tpu.memory_space<hbm>> -> memref<1000000x64xf32, #tpu.memory_space<hbm>>
      tpu.enqueue_indirect_dma source(%dma_start3A_725 : memref<1000000x64xf32, #tpu.memory_space<hbm>>) target(%dma_start3A_721 : memref<128x64xf32, #tpu.memory_space<vmem>>) offsets(%dma_start3A_722 : memref<128xi32, #tpu.memory_space<vmem>>) semaphore(%arg7 : memref<!tpu.dma_semaphore, #tpu.memory_space<semaphore_mem>>)
      %mul3A_726 = arith.constant 4 : i32
      %mul3A_727 = arith.muli %add3A_680, %mul3A_726 : i32
      %add3A_728 = arith.constant 3 : i32
      %add3A_729 = arith.addi %mul3A_727, %add3A_728 : i32
      %mul3A_730 = arith.constant 128 : i32
      %mul3A_731 = arith.muli %add3A_729, %mul3A_730 : i32
      %dma_start3A_732 = arith.constant 0 : i32
      %dma_start3A_733 = arith.constant 384 : i32
      %dma_start3A_734 = arith.constant 0 : i32
      %dma_start3A_735 = tpu.memref_slice %arg6[%dma_start3A_732, %dma_start3A_733, %dma_start3A_734] : memref<3x512x64xf32, #tpu.memory_space<vmem>> -> memref<1x128x64xf32, #tpu.memory_space<vmem>>
      %dma_start3A_736 = tpu.memref_squeeze %dma_start3A_735 : memref<1x128x64xf32, #tpu.memory_space<vmem>> -> memref<128x64xf32, #tpu.memory_space<vmem>>
      %dma_start3A_737 = tpu.memref_slice %arg5[%mul3A_731] : memref<25600xi32, #tpu.memory_space<vmem>> -> memref<128xi32, #tpu.memory_space<vmem>>
      %dma_start3A_738 = arith.constant 0 : i32
      %dma_start3A_739 = arith.constant 0 : i32
      %dma_start3A_740 = tpu.memref_slice %arg3[%dma_start3A_738, %dma_start3A_739] : memref<1000000x64xf32, #tpu.memory_space<hbm>> -> memref<1000000x64xf32, #tpu.memory_space<hbm>>
      tpu.enqueue_indirect_dma source(%dma_start3A_740 : memref<1000000x64xf32, #tpu.memory_space<hbm>>) target(%dma_start3A_736 : memref<128x64xf32, #tpu.memory_space<vmem>>) offsets(%dma_start3A_737 : memref<128xi32, #tpu.memory_space<vmem>>) semaphore(%arg7 : memref<!tpu.dma_semaphore, #tpu.memory_space<semaphore_mem>>)
      %add3A_741 = arith.constant 2 : i32
      %add3A_742 = arith.addi %add3A_494, %add3A_741 : i32
      %dma_wait3A_743 = arith.constant 2 : i32
      %dma_wait3A_744 = arith.constant 0 : i32
      %dma_wait3A_745 = arith.constant 0 : i32
      %dma_wait3A_746 = tpu.memref_slice %arg6[%dma_wait3A_743, %dma_wait3A_744, %dma_wait3A_745] : memref<3x512x64xf32, #tpu.memory_space<vmem>> -> memref<1x512x64xf32, #tpu.memory_space<vmem>>
      %dma_wait3A_747 = tpu.memref_squeeze %dma_wait3A_746 : memref<1x512x64xf32, #tpu.memory_space<vmem>> -> memref<512x64xf32, #tpu.memory_space<vmem>>
      %dma_wait3A_748 = arith.constant 0 : i32
      %dma_wait3A_749 = tpu.memref_slice %arg4[%mul3A_2, %dma_wait3A_748] : memref<819200x128xf32, #tpu.memory_space<hbm>> -> memref<25600x128xf32, #tpu.memory_space<hbm>>
      %dma_wait3A_750 = arith.constant 0 : i32
      %dma_wait3A_751 = arith.constant 0 : i32
      %dma_wait3A_752 = tpu.memref_slice %dma_wait3A_749[%dma_wait3A_750, %dma_wait3A_751] : memref<25600x128xf32, #tpu.memory_space<hbm>> -> memref<512x64xf32, #tpu.memory_space<hbm>>
      %dma_wait3A_753 = arith.constant 0 : i32
      %dma_wait3A_754 = arith.constant 0 : i32
      %dma_wait3A_755 = tpu.memref_slice %arg6[%dma_wait3A_743, %dma_wait3A_753, %dma_wait3A_754] : memref<3x512x64xf32, #tpu.memory_space<vmem>> -> memref<1x512x64xf32, #tpu.memory_space<vmem>>
      %dma_wait3A_756 = tpu.memref_squeeze %dma_wait3A_755 : memref<1x512x64xf32, #tpu.memory_space<vmem>> -> memref<512x64xf32, #tpu.memory_space<vmem>>
      %dma_wait3A_757 = arith.constant 0 : i32
      %dma_wait3A_758 = tpu.memref_slice %arg4[%mul3A_2, %dma_wait3A_757] : memref<819200x128xf32, #tpu.memory_space<hbm>> -> memref<25600x128xf32, #tpu.memory_space<hbm>>
      %dma_wait3A_759 = arith.constant 0 : i32
      %dma_wait3A_760 = arith.constant 0 : i32
      %dma_wait3A_761 = tpu.memref_slice %dma_wait3A_758[%dma_wait3A_759, %dma_wait3A_760] : memref<25600x128xf32, #tpu.memory_space<hbm>> -> memref<512x64xf32, #tpu.memory_space<hbm>>
      tpu.wait_dma2 semaphore(%arg9 : memref<!tpu.dma_semaphore, #tpu.memory_space<semaphore_mem>>) src(%dma_wait3A_761 : memref<512x64xf32, #tpu.memory_space<hbm>>) dst(%dma_wait3A_756 : memref<512x64xf32, #tpu.memory_space<vmem>>)
      %mul3A_762 = arith.constant 4 : i32
      %mul3A_763 = arith.muli %add3A_742, %mul3A_762 : i32
      %mul3A_764 = arith.constant 128 : i32
      %mul3A_765 = arith.muli %mul3A_763, %mul3A_764 : i32
      %dma_start3A_766 = arith.constant 2 : i32
      %dma_start3A_767 = arith.constant 0 : i32
      %dma_start3A_768 = arith.constant 0 : i32
      %dma_start3A_769 = tpu.memref_slice %arg6[%dma_start3A_766, %dma_start3A_767, %dma_start3A_768] : memref<3x512x64xf32, #tpu.memory_space<vmem>> -> memref<1x512x64xf32, #tpu.memory_space<vmem>>
      %dma_start3A_770 = tpu.memref_squeeze %dma_start3A_769 : memref<1x512x64xf32, #tpu.memory_space<vmem>> -> memref<512x64xf32, #tpu.memory_space<vmem>>
      %dma_start3A_771 = arith.constant 0 : i32
      %dma_start3A_772 = tpu.memref_slice %arg4[%mul3A_2, %dma_start3A_771] : memref<819200x128xf32, #tpu.memory_space<hbm>> -> memref<25600x128xf32, #tpu.memory_space<hbm>>
      %dma_start3A_773 = arith.constant 0 : i32
      %dma_start3A_774 = tpu.memref_slice %dma_start3A_772[%mul3A_765, %dma_start3A_773] : memref<25600x128xf32, #tpu.memory_space<hbm>> -> memref<512x64xf32, #tpu.memory_space<hbm>>
      %dma_start3A_775 = arith.constant 0 : i32
      %dma_start3A_776 = tpu.memref_slice %arg4[%mul3A_2, %dma_start3A_775] : memref<819200x128xf32, #tpu.memory_space<hbm>> -> memref<25600x128xf32, #tpu.memory_space<hbm>>
      %dma_start3A_777 = arith.constant 0 : i32
      %dma_start3A_778 = tpu.memref_slice %dma_start3A_776[%mul3A_765, %dma_start3A_777] : memref<25600x128xf32, #tpu.memory_space<hbm>> -> memref<512x64xf32, #tpu.memory_space<hbm>>
      %dma_start3A_779 = arith.constant 0 : i32
      %dma_start3A_780 = arith.constant 0 : i32
      %dma_start3A_781 = tpu.memref_slice %arg6[%dma_start3A_766, %dma_start3A_779, %dma_start3A_780] : memref<3x512x64xf32, #tpu.memory_space<vmem>> -> memref<1x512x64xf32, #tpu.memory_space<vmem>>
      %dma_start3A_782 = tpu.memref_squeeze %dma_start3A_781 : memref<1x512x64xf32, #tpu.memory_space<vmem>> -> memref<512x64xf32, #tpu.memory_space<vmem>>
      tpu.enqueue_dma source(%dma_start3A_782 : memref<512x64xf32, #tpu.memory_space<vmem>>) target(%dma_start3A_778 : memref<512x64xf32, #tpu.memory_space<hbm>>) target_semaphore(%arg12 : memref<!tpu.dma_semaphore, #tpu.memory_space<semaphore_mem>>)
      %dma_wait3A_783 = arith.constant 1 : i32
      %dma_wait3A_784 = arith.constant 0 : i32
      %dma_wait3A_785 = arith.constant 0 : i32
      %dma_wait3A_786 = tpu.memref_slice %arg6[%dma_wait3A_783, %dma_wait3A_784, %dma_wait3A_785] : memref<3x512x64xf32, #tpu.memory_space<vmem>> -> memref<1x512x64xf32, #tpu.memory_space<vmem>>
      %dma_wait3A_787 = tpu.memref_squeeze %dma_wait3A_786 : memref<1x512x64xf32, #tpu.memory_space<vmem>> -> memref<512x64xf32, #tpu.memory_space<vmem>>
      %dma_wait3A_788 = arith.constant 0 : i32
      %dma_wait3A_789 = tpu.memref_slice %arg4[%mul3A_2, %dma_wait3A_788] : memref<819200x128xf32, #tpu.memory_space<hbm>> -> memref<25600x128xf32, #tpu.memory_space<hbm>>
      %dma_wait3A_790 = arith.constant 0 : i32
      %dma_wait3A_791 = arith.constant 0 : i32
      %dma_wait3A_792 = tpu.memref_slice %dma_wait3A_789[%dma_wait3A_790, %dma_wait3A_791] : memref<25600x128xf32, #tpu.memory_space<hbm>> -> memref<512x64xf32, #tpu.memory_space<hbm>>
      %dma_wait3A_793 = arith.constant 0 : i32
      %dma_wait3A_794 = tpu.memref_slice %arg4[%mul3A_2, %dma_wait3A_793] : memref<819200x128xf32, #tpu.memory_space<hbm>> -> memref<25600x128xf32, #tpu.memory_space<hbm>>
      %dma_wait3A_795 = arith.constant 0 : i32
      %dma_wait3A_796 = arith.constant 0 : i32
      %dma_wait3A_797 = tpu.memref_slice %dma_wait3A_794[%dma_wait3A_795, %dma_wait3A_796] : memref<25600x128xf32, #tpu.memory_space<hbm>> -> memref<512x64xf32, #tpu.memory_space<hbm>>
      %dma_wait3A_798 = arith.constant 0 : i32
      %dma_wait3A_799 = arith.constant 0 : i32
      %dma_wait3A_800 = tpu.memref_slice %arg6[%dma_wait3A_783, %dma_wait3A_798, %dma_wait3A_799] : memref<3x512x64xf32, #tpu.memory_space<vmem>> -> memref<1x512x64xf32, #tpu.memory_space<vmem>>
      %dma_wait3A_801 = tpu.memref_squeeze %dma_wait3A_800 : memref<1x512x64xf32, #tpu.memory_space<vmem>> -> memref<512x64xf32, #tpu.memory_space<vmem>>
      tpu.wait_dma2 semaphore(%arg11 : memref<!tpu.dma_semaphore, #tpu.memory_space<semaphore_mem>>) src(%dma_wait3A_801 : memref<512x64xf32, #tpu.memory_space<vmem>>) dst(%dma_wait3A_797 : memref<512x64xf32, #tpu.memory_space<hbm>>)
      %add3A_802 = arith.constant 2 : i32
      %add3A_803 = arith.addi %add3A_742, %add3A_802 : i32
      %mul3A_804 = arith.constant 4 : i32
      %mul3A_805 = arith.muli %add3A_803, %mul3A_804 : i32
      %add3A_806 = arith.constant 0 : i32
      %add3A_807 = arith.addi %mul3A_805, %add3A_806 : i32
      %mul3A_808 = arith.constant 128 : i32
      %mul3A_809 = arith.muli %add3A_807, %mul3A_808 : i32
      %dma_start3A_810 = arith.constant 1 : i32
      %dma_start3A_811 = arith.constant 0 : i32
      %dma_start3A_812 = arith.constant 0 : i32
      %dma_start3A_813 = tpu.memref_slice %arg6[%dma_start3A_810, %dma_start3A_811, %dma_start3A_812] : memref<3x512x64xf32, #tpu.memory_space<vmem>> -> memref<1x128x64xf32, #tpu.memory_space<vmem>>
      %dma_start3A_814 = tpu.memref_squeeze %dma_start3A_813 : memref<1x128x64xf32, #tpu.memory_space<vmem>> -> memref<128x64xf32, #tpu.memory_space<vmem>>
      %dma_start3A_815 = tpu.memref_slice %arg5[%mul3A_809] : memref<25600xi32, #tpu.memory_space<vmem>> -> memref<128xi32, #tpu.memory_space<vmem>>
      %dma_start3A_816 = arith.constant 0 : i32
      %dma_start3A_817 = arith.constant 0 : i32
      %dma_start3A_818 = tpu.memref_slice %arg3[%dma_start3A_816, %dma_start3A_817] : memref<1000000x64xf32, #tpu.memory_space<hbm>> -> memref<1000000x64xf32, #tpu.memory_space<hbm>>
      tpu.enqueue_indirect_dma source(%dma_start3A_818 : memref<1000000x64xf32, #tpu.memory_space<hbm>>) target(%dma_start3A_814 : memref<128x64xf32, #tpu.memory_space<vmem>>) offsets(%dma_start3A_815 : memref<128xi32, #tpu.memory_space<vmem>>) semaphore(%arg8 : memref<!tpu.dma_semaphore, #tpu.memory_space<semaphore_mem>>)
      %mul3A_819 = arith.constant 4 : i32
      %mul3A_820 = arith.muli %add3A_803, %mul3A_819 : i32
      %add3A_821 = arith.constant 1 : i32
      %add3A_822 = arith.addi %mul3A_820, %add3A_821 : i32
      %mul3A_823 = arith.constant 128 : i32
      %mul3A_824 = arith.muli %add3A_822, %mul3A_823 : i32
      %dma_start3A_825 = arith.constant 1 : i32
      %dma_start3A_826 = arith.constant 128 : i32
      %dma_start3A_827 = arith.constant 0 : i32
      %dma_start3A_828 = tpu.memref_slice %arg6[%dma_start3A_825, %dma_start3A_826, %dma_start3A_827] : memref<3x512x64xf32, #tpu.memory_space<vmem>> -> memref<1x128x64xf32, #tpu.memory_space<vmem>>
      %dma_start3A_829 = tpu.memref_squeeze %dma_start3A_828 : memref<1x128x64xf32, #tpu.memory_space<vmem>> -> memref<128x64xf32, #tpu.memory_space<vmem>>
      %dma_start3A_830 = tpu.memref_slice %arg5[%mul3A_824] : memref<25600xi32, #tpu.memory_space<vmem>> -> memref<128xi32, #tpu.memory_space<vmem>>
      %dma_start3A_831 = arith.constant 0 : i32
      %dma_start3A_832 = arith.constant 0 : i32
      %dma_start3A_833 = tpu.memref_slice %arg3[%dma_start3A_831, %dma_start3A_832] : memref<1000000x64xf32, #tpu.memory_space<hbm>> -> memref<1000000x64xf32, #tpu.memory_space<hbm>>
      tpu.enqueue_indirect_dma source(%dma_start3A_833 : memref<1000000x64xf32, #tpu.memory_space<hbm>>) target(%dma_start3A_829 : memref<128x64xf32, #tpu.memory_space<vmem>>) offsets(%dma_start3A_830 : memref<128xi32, #tpu.memory_space<vmem>>) semaphore(%arg8 : memref<!tpu.dma_semaphore, #tpu.memory_space<semaphore_mem>>)
      %mul3A_834 = arith.constant 4 : i32
      %mul3A_835 = arith.muli %add3A_803, %mul3A_834 : i32
      %add3A_836 = arith.constant 2 : i32
      %add3A_837 = arith.addi %mul3A_835, %add3A_836 : i32
      %mul3A_838 = arith.constant 128 : i32
      %mul3A_839 = arith.muli %add3A_837, %mul3A_838 : i32
      %dma_start3A_840 = arith.constant 1 : i32
      %dma_start3A_841 = arith.constant 256 : i32
      %dma_start3A_842 = arith.constant 0 : i32
      %dma_start3A_843 = tpu.memref_slice %arg6[%dma_start3A_840, %dma_start3A_841, %dma_start3A_842] : memref<3x512x64xf32, #tpu.memory_space<vmem>> -> memref<1x128x64xf32, #tpu.memory_space<vmem>>
      %dma_start3A_844 = tpu.memref_squeeze %dma_start3A_843 : memref<1x128x64xf32, #tpu.memory_space<vmem>> -> memref<128x64xf32, #tpu.memory_space<vmem>>
      %dma_start3A_845 = tpu.memref_slice %arg5[%mul3A_839] : memref<25600xi32, #tpu.memory_space<vmem>> -> memref<128xi32, #tpu.memory_space<vmem>>
      %dma_start3A_846 = arith.constant 0 : i32
      %dma_start3A_847 = arith.constant 0 : i32
      %dma_start3A_848 = tpu.memref_slice %arg3[%dma_start3A_846, %dma_start3A_847] : memref<1000000x64xf32, #tpu.memory_space<hbm>> -> memref<1000000x64xf32, #tpu.memory_space<hbm>>
      tpu.enqueue_indirect_dma source(%dma_start3A_848 : memref<1000000x64xf32, #tpu.memory_space<hbm>>) target(%dma_start3A_844 : memref<128x64xf32, #tpu.memory_space<vmem>>) offsets(%dma_start3A_845 : memref<128xi32, #tpu.memory_space<vmem>>) semaphore(%arg8 : memref<!tpu.dma_semaphore, #tpu.memory_space<semaphore_mem>>)
      %mul3A_849 = arith.constant 4 : i32
      %mul3A_850 = arith.muli %add3A_803, %mul3A_849 : i32
      %add3A_851 = arith.constant 3 : i32
      %add3A_852 = arith.addi %mul3A_850, %add3A_851 : i32
      %mul3A_853 = arith.constant 128 : i32
      %mul3A_854 = arith.muli %add3A_852, %mul3A_853 : i32
      %dma_start3A_855 = arith.constant 1 : i32
      %dma_start3A_856 = arith.constant 384 : i32
      %dma_start3A_857 = arith.constant 0 : i32
      %dma_start3A_858 = tpu.memref_slice %arg6[%dma_start3A_855, %dma_start3A_856, %dma_start3A_857] : memref<3x512x64xf32, #tpu.memory_space<vmem>> -> memref<1x128x64xf32, #tpu.memory_space<vmem>>
      %dma_start3A_859 = tpu.memref_squeeze %dma_start3A_858 : memref<1x128x64xf32, #tpu.memory_space<vmem>> -> memref<128x64xf32, #tpu.memory_space<vmem>>
      %dma_start3A_860 = tpu.memref_slice %arg5[%mul3A_854] : memref<25600xi32, #tpu.memory_space<vmem>> -> memref<128xi32, #tpu.memory_space<vmem>>
      %dma_start3A_861 = arith.constant 0 : i32
      %dma_start3A_862 = arith.constant 0 : i32
      %dma_start3A_863 = tpu.memref_slice %arg3[%dma_start3A_861, %dma_start3A_862] : memref<1000000x64xf32, #tpu.memory_space<hbm>> -> memref<1000000x64xf32, #tpu.memory_space<hbm>>
      tpu.enqueue_indirect_dma source(%dma_start3A_863 : memref<1000000x64xf32, #tpu.memory_space<hbm>>) target(%dma_start3A_859 : memref<128x64xf32, #tpu.memory_space<vmem>>) offsets(%dma_start3A_860 : memref<128xi32, #tpu.memory_space<vmem>>) semaphore(%arg8 : memref<!tpu.dma_semaphore, #tpu.memory_space<semaphore_mem>>)
    }
    %scan3A_356 = arith.constant 15 : i32
    %dma_wait3A_357 = arith.constant 0 : i32
    %dma_wait3A_358 = arith.constant 0 : i32
    %dma_wait3A_359 = arith.constant 0 : i32
    %dma_wait3A_360 = tpu.memref_slice %arg6[%dma_wait3A_357, %dma_wait3A_358, %dma_wait3A_359] : memref<3x512x64xf32, #tpu.memory_space<vmem>> -> memref<1x512x64xf32, #tpu.memory_space<vmem>>
    %dma_wait3A_361 = tpu.memref_squeeze %dma_wait3A_360 : memref<1x512x64xf32, #tpu.memory_space<vmem>> -> memref<512x64xf32, #tpu.memory_space<vmem>>
    %dma_wait3A_362 = arith.constant 0 : i32
    %dma_wait3A_363 = tpu.memref_slice %arg4[%mul3A_2, %dma_wait3A_362] : memref<819200x128xf32, #tpu.memory_space<hbm>> -> memref<25600x128xf32, #tpu.memory_space<hbm>>
    %dma_wait3A_364 = arith.constant 0 : i32
    %dma_wait3A_365 = arith.constant 0 : i32
    %dma_wait3A_366 = tpu.memref_slice %dma_wait3A_363[%dma_wait3A_364, %dma_wait3A_365] : memref<25600x128xf32, #tpu.memory_space<hbm>> -> memref<512x64xf32, #tpu.memory_space<hbm>>
    %dma_wait3A_367 = arith.constant 0 : i32
    %dma_wait3A_368 = arith.constant 0 : i32
    %dma_wait3A_369 = tpu.memref_slice %arg6[%dma_wait3A_357, %dma_wait3A_367, %dma_wait3A_368] : memref<3x512x64xf32, #tpu.memory_space<vmem>> -> memref<1x512x64xf32, #tpu.memory_space<vmem>>
    %dma_wait3A_370 = tpu.memref_squeeze %dma_wait3A_369 : memref<1x512x64xf32, #tpu.memory_space<vmem>> -> memref<512x64xf32, #tpu.memory_space<vmem>>
    %dma_wait3A_371 = arith.constant 0 : i32
    %dma_wait3A_372 = tpu.memref_slice %arg4[%mul3A_2, %dma_wait3A_371] : memref<819200x128xf32, #tpu.memory_space<hbm>> -> memref<25600x128xf32, #tpu.memory_space<hbm>>
    %dma_wait3A_373 = arith.constant 0 : i32
    %dma_wait3A_374 = arith.constant 0 : i32
    %dma_wait3A_375 = tpu.memref_slice %dma_wait3A_372[%dma_wait3A_373, %dma_wait3A_374] : memref<25600x128xf32, #tpu.memory_space<hbm>> -> memref<512x64xf32, #tpu.memory_space<hbm>>
    tpu.wait_dma2 semaphore(%arg7 : memref<!tpu.dma_semaphore, #tpu.memory_space<semaphore_mem>>) src(%dma_wait3A_375 : memref<512x64xf32, #tpu.memory_space<hbm>>) dst(%dma_wait3A_370 : memref<512x64xf32, #tpu.memory_space<vmem>>)
    %dma_start3A_376 = arith.constant 0 : i32
    %dma_start3A_377 = arith.constant 0 : i32
    %dma_start3A_378 = arith.constant 0 : i32
    %dma_start3A_379 = tpu.memref_slice %arg6[%dma_start3A_376, %dma_start3A_377, %dma_start3A_378] : memref<3x512x64xf32, #tpu.memory_space<vmem>> -> memref<1x512x64xf32, #tpu.memory_space<vmem>>
    %dma_start3A_380 = tpu.memref_squeeze %dma_start3A_379 : memref<1x512x64xf32, #tpu.memory_space<vmem>> -> memref<512x64xf32, #tpu.memory_space<vmem>>
    %dma_start3A_381 = arith.constant 0 : i32
    %dma_start3A_382 = tpu.memref_slice %arg4[%mul3A_2, %dma_start3A_381] : memref<819200x128xf32, #tpu.memory_space<hbm>> -> memref<25600x128xf32, #tpu.memory_space<hbm>>
    %dma_start3A_383 = arith.constant 24576 : i32
    %dma_start3A_384 = arith.constant 0 : i32
    %dma_start3A_385 = tpu.memref_slice %dma_start3A_382[%dma_start3A_383, %dma_start3A_384] : memref<25600x128xf32, #tpu.memory_space<hbm>> -> memref<512x64xf32, #tpu.memory_space<hbm>>
    %dma_start3A_386 = arith.constant 0 : i32
    %dma_start3A_387 = tpu.memref_slice %arg4[%mul3A_2, %dma_start3A_386] : memref<819200x128xf32, #tpu.memory_space<hbm>> -> memref<25600x128xf32, #tpu.memory_space<hbm>>
    %dma_start3A_388 = arith.constant 24576 : i32
    %dma_start3A_389 = arith.constant 0 : i32
    %dma_start3A_390 = tpu.memref_slice %dma_start3A_387[%dma_start3A_388, %dma_start3A_389] : memref<25600x128xf32, #tpu.memory_space<hbm>> -> memref<512x64xf32, #tpu.memory_space<hbm>>
    %dma_start3A_391 = arith.constant 0 : i32
    %dma_start3A_392 = arith.constant 0 : i32
    %dma_start3A_393 = tpu.memref_slice %arg6[%dma_start3A_376, %dma_start3A_391, %dma_start3A_392] : memref<3x512x64xf32, #tpu.memory_space<vmem>> -> memref<1x512x64xf32, #tpu.memory_space<vmem>>
    %dma_start3A_394 = tpu.memref_squeeze %dma_start3A_393 : memref<1x512x64xf32, #tpu.memory_space<vmem>> -> memref<512x64xf32, #tpu.memory_space<vmem>>
    tpu.enqueue_dma source(%dma_start3A_394 : memref<512x64xf32, #tpu.memory_space<vmem>>) target(%dma_start3A_390 : memref<512x64xf32, #tpu.memory_space<hbm>>) target_semaphore(%arg10 : memref<!tpu.dma_semaphore, #tpu.memory_space<semaphore_mem>>)
    %dma_wait3A_395 = arith.constant 1 : i32
    %dma_wait3A_396 = arith.constant 0 : i32
    %dma_wait3A_397 = arith.constant 0 : i32
    %dma_wait3A_398 = tpu.memref_slice %arg6[%dma_wait3A_395, %dma_wait3A_396, %dma_wait3A_397] : memref<3x512x64xf32, #tpu.memory_space<vmem>> -> memref<1x512x64xf32, #tpu.memory_space<vmem>>
    %dma_wait3A_399 = tpu.memref_squeeze %dma_wait3A_398 : memref<1x512x64xf32, #tpu.memory_space<vmem>> -> memref<512x64xf32, #tpu.memory_space<vmem>>
    %dma_wait3A_400 = arith.constant 0 : i32
    %dma_wait3A_401 = tpu.memref_slice %arg4[%mul3A_2, %dma_wait3A_400] : memref<819200x128xf32, #tpu.memory_space<hbm>> -> memref<25600x128xf32, #tpu.memory_space<hbm>>
    %dma_wait3A_402 = arith.constant 0 : i32
    %dma_wait3A_403 = arith.constant 0 : i32
    %dma_wait3A_404 = tpu.memref_slice %dma_wait3A_401[%dma_wait3A_402, %dma_wait3A_403] : memref<25600x128xf32, #tpu.memory_space<hbm>> -> memref<512x64xf32, #tpu.memory_space<hbm>>
    %dma_wait3A_405 = arith.constant 0 : i32
    %dma_wait3A_406 = arith.constant 0 : i32
    %dma_wait3A_407 = tpu.memref_slice %arg6[%dma_wait3A_395, %dma_wait3A_405, %dma_wait3A_406] : memref<3x512x64xf32, #tpu.memory_space<vmem>> -> memref<1x512x64xf32, #tpu.memory_space<vmem>>
    %dma_wait3A_408 = tpu.memref_squeeze %dma_wait3A_407 : memref<1x512x64xf32, #tpu.memory_space<vmem>> -> memref<512x64xf32, #tpu.memory_space<vmem>>
    %dma_wait3A_409 = arith.constant 0 : i32
    %dma_wait3A_410 = tpu.memref_slice %arg4[%mul3A_2, %dma_wait3A_409] : memref<819200x128xf32, #tpu.memory_space<hbm>> -> memref<25600x128xf32, #tpu.memory_space<hbm>>
    %dma_wait3A_411 = arith.constant 0 : i32
    %dma_wait3A_412 = arith.constant 0 : i32
    %dma_wait3A_413 = tpu.memref_slice %dma_wait3A_410[%dma_wait3A_411, %dma_wait3A_412] : memref<25600x128xf32, #tpu.memory_space<hbm>> -> memref<512x64xf32, #tpu.memory_space<hbm>>
    tpu.wait_dma2 semaphore(%arg8 : memref<!tpu.dma_semaphore, #tpu.memory_space<semaphore_mem>>) src(%dma_wait3A_413 : memref<512x64xf32, #tpu.memory_space<hbm>>) dst(%dma_wait3A_408 : memref<512x64xf32, #tpu.memory_space<vmem>>)
    %dma_start3A_414 = arith.constant 1 : i32
    %dma_start3A_415 = arith.constant 0 : i32
    %dma_start3A_416 = arith.constant 0 : i32
    %dma_start3A_417 = tpu.memref_slice %arg6[%dma_start3A_414, %dma_start3A_415, %dma_start3A_416] : memref<3x512x64xf32, #tpu.memory_space<vmem>> -> memref<1x512x64xf32, #tpu.memory_space<vmem>>
    %dma_start3A_418 = tpu.memref_squeeze %dma_start3A_417 : memref<1x512x64xf32, #tpu.memory_space<vmem>> -> memref<512x64xf32, #tpu.memory_space<vmem>>
    %dma_start3A_419 = arith.constant 0 : i32
    %dma_start3A_420 = tpu.memref_slice %arg4[%mul3A_2, %dma_start3A_419] : memref<819200x128xf32, #tpu.memory_space<hbm>> -> memref<25600x128xf32, #tpu.memory_space<hbm>>
    %dma_start3A_421 = arith.constant 25088 : i32
    %dma_start3A_422 = arith.constant 0 : i32
    %dma_start3A_423 = tpu.memref_slice %dma_start3A_420[%dma_start3A_421, %dma_start3A_422] : memref<25600x128xf32, #tpu.memory_space<hbm>> -> memref<512x64xf32, #tpu.memory_space<hbm>>
    %dma_start3A_424 = arith.constant 0 : i32
    %dma_start3A_425 = tpu.memref_slice %arg4[%mul3A_2, %dma_start3A_424] : memref<819200x128xf32, #tpu.memory_space<hbm>> -> memref<25600x128xf32, #tpu.memory_space<hbm>>
    %dma_start3A_426 = arith.constant 25088 : i32
    %dma_start3A_427 = arith.constant 0 : i32
    %dma_start3A_428 = tpu.memref_slice %dma_start3A_425[%dma_start3A_426, %dma_start3A_427] : memref<25600x128xf32, #tpu.memory_space<hbm>> -> memref<512x64xf32, #tpu.memory_space<hbm>>
    %dma_start3A_429 = arith.constant 0 : i32
    %dma_start3A_430 = arith.constant 0 : i32
    %dma_start3A_431 = tpu.memref_slice %arg6[%dma_start3A_414, %dma_start3A_429, %dma_start3A_430] : memref<3x512x64xf32, #tpu.memory_space<vmem>> -> memref<1x512x64xf32, #tpu.memory_space<vmem>>
    %dma_start3A_432 = tpu.memref_squeeze %dma_start3A_431 : memref<1x512x64xf32, #tpu.memory_space<vmem>> -> memref<512x64xf32, #tpu.memory_space<vmem>>
    tpu.enqueue_dma source(%dma_start3A_432 : memref<512x64xf32, #tpu.memory_space<vmem>>) target(%dma_start3A_428 : memref<512x64xf32, #tpu.memory_space<hbm>>) target_semaphore(%arg11 : memref<!tpu.dma_semaphore, #tpu.memory_space<semaphore_mem>>)
    %dma_wait3A_433 = arith.constant 0 : i32
    %dma_wait3A_434 = arith.constant 0 : i32
    %dma_wait3A_435 = arith.constant 0 : i32
    %dma_wait3A_436 = tpu.memref_slice %arg6[%dma_wait3A_433, %dma_wait3A_434, %dma_wait3A_435] : memref<3x512x64xf32, #tpu.memory_space<vmem>> -> memref<1x512x64xf32, #tpu.memory_space<vmem>>
    %dma_wait3A_437 = tpu.memref_squeeze %dma_wait3A_436 : memref<1x512x64xf32, #tpu.memory_space<vmem>> -> memref<512x64xf32, #tpu.memory_space<vmem>>
    %dma_wait3A_438 = arith.constant 0 : i32
    %dma_wait3A_439 = tpu.memref_slice %arg4[%mul3A_2, %dma_wait3A_438] : memref<819200x128xf32, #tpu.memory_space<hbm>> -> memref<25600x128xf32, #tpu.memory_space<hbm>>
    %dma_wait3A_440 = arith.constant 0 : i32
    %dma_wait3A_441 = arith.constant 0 : i32
    %dma_wait3A_442 = tpu.memref_slice %dma_wait3A_439[%dma_wait3A_440, %dma_wait3A_441] : memref<25600x128xf32, #tpu.memory_space<hbm>> -> memref<512x64xf32, #tpu.memory_space<hbm>>
    %dma_wait3A_443 = arith.constant 0 : i32
    %dma_wait3A_444 = tpu.memref_slice %arg4[%mul3A_2, %dma_wait3A_443] : memref<819200x128xf32, #tpu.memory_space<hbm>> -> memref<25600x128xf32, #tpu.memory_space<hbm>>
    %dma_wait3A_445 = arith.constant 0 : i32
    %dma_wait3A_446 = arith.constant 0 : i32
    %dma_wait3A_447 = tpu.memref_slice %dma_wait3A_444[%dma_wait3A_445, %dma_wait3A_446] : memref<25600x128xf32, #tpu.memory_space<hbm>> -> memref<512x64xf32, #tpu.memory_space<hbm>>
    %dma_wait3A_448 = arith.constant 0 : i32
    %dma_wait3A_449 = arith.constant 0 : i32
    %dma_wait3A_450 = tpu.memref_slice %arg6[%dma_wait3A_433, %dma_wait3A_448, %dma_wait3A_449] : memref<3x512x64xf32, #tpu.memory_space<vmem>> -> memref<1x512x64xf32, #tpu.memory_space<vmem>>
    %dma_wait3A_451 = tpu.memref_squeeze %dma_wait3A_450 : memref<1x512x64xf32, #tpu.memory_space<vmem>> -> memref<512x64xf32, #tpu.memory_space<vmem>>
    tpu.wait_dma2 semaphore(%arg10 : memref<!tpu.dma_semaphore, #tpu.memory_space<semaphore_mem>>) src(%dma_wait3A_451 : memref<512x64xf32, #tpu.memory_space<vmem>>) dst(%dma_wait3A_447 : memref<512x64xf32, #tpu.memory_space<hbm>>)
    %dma_wait3A_452 = arith.constant 1 : i32
    %dma_wait3A_453 = arith.constant 0 : i32
    %dma_wait3A_454 = arith.constant 0 : i32
    %dma_wait3A_455 = tpu.memref_slice %arg6[%dma_wait3A_452, %dma_wait3A_453, %dma_wait3A_454] : memref<3x512x64xf32, #tpu.memory_space<vmem>> -> memref<1x512x64xf32, #tpu.memory_space<vmem>>
    %dma_wait3A_456 = tpu.memref_squeeze %dma_wait3A_455 : memref<1x512x64xf32, #tpu.memory_space<vmem>> -> memref<512x64xf32, #tpu.memory_space<vmem>>
    %dma_wait3A_457 = arith.constant 0 : i32
    %dma_wait3A_458 = tpu.memref_slice %arg4[%mul3A_2, %dma_wait3A_457] : memref<819200x128xf32, #tpu.memory_space<hbm>> -> memref<25600x128xf32, #tpu.memory_space<hbm>>
    %dma_wait3A_459 = arith.constant 0 : i32
    %dma_wait3A_460 = arith.constant 0 : i32
    %dma_wait3A_461 = tpu.memref_slice %dma_wait3A_458[%dma_wait3A_459, %dma_wait3A_460] : memref<25600x128xf32, #tpu.memory_space<hbm>> -> memref<512x64xf32, #tpu.memory_space<hbm>>
    %dma_wait3A_462 = arith.constant 0 : i32
    %dma_wait3A_463 = tpu.memref_slice %arg4[%mul3A_2, %dma_wait3A_462] : memref<819200x128xf32, #tpu.memory_space<hbm>> -> memref<25600x128xf32, #tpu.memory_space<hbm>>
    %dma_wait3A_464 = arith.constant 0 : i32
    %dma_wait3A_465 = arith.constant 0 : i32
    %dma_wait3A_466 = tpu.memref_slice %dma_wait3A_463[%dma_wait3A_464, %dma_wait3A_465] : memref<25600x128xf32, #tpu.memory_space<hbm>> -> memref<512x64xf32, #tpu.memory_space<hbm>>
    %dma_wait3A_467 = arith.constant 0 : i32
    %dma_wait3A_468 = arith.constant 0 : i32
    %dma_wait3A_469 = tpu.memref_slice %arg6[%dma_wait3A_452, %dma_wait3A_467, %dma_wait3A_468] : memref<3x512x64xf32, #tpu.memory_space<vmem>> -> memref<1x512x64xf32, #tpu.memory_space<vmem>>
    %dma_wait3A_470 = tpu.memref_squeeze %dma_wait3A_469 : memref<1x512x64xf32, #tpu.memory_space<vmem>> -> memref<512x64xf32, #tpu.memory_space<vmem>>
    tpu.wait_dma2 semaphore(%arg11 : memref<!tpu.dma_semaphore, #tpu.memory_space<semaphore_mem>>) src(%dma_wait3A_470 : memref<512x64xf32, #tpu.memory_space<vmem>>) dst(%dma_wait3A_466 : memref<512x64xf32, #tpu.memory_space<hbm>>)
    %dma_wait3A_471 = arith.constant 2 : i32
    %dma_wait3A_472 = arith.constant 0 : i32
    %dma_wait3A_473 = arith.constant 0 : i32
    %dma_wait3A_474 = tpu.memref_slice %arg6[%dma_wait3A_471, %dma_wait3A_472, %dma_wait3A_473] : memref<3x512x64xf32, #tpu.memory_space<vmem>> -> memref<1x512x64xf32, #tpu.memory_space<vmem>>
    %dma_wait3A_475 = tpu.memref_squeeze %dma_wait3A_474 : memref<1x512x64xf32, #tpu.memory_space<vmem>> -> memref<512x64xf32, #tpu.memory_space<vmem>>
    %dma_wait3A_476 = arith.constant 0 : i32
    %dma_wait3A_477 = tpu.memref_slice %arg4[%mul3A_2, %dma_wait3A_476] : memref<819200x128xf32, #tpu.memory_space<hbm>> -> memref<25600x128xf32, #tpu.memory_space<hbm>>
    %dma_wait3A_478 = arith.constant 0 : i32
    %dma_wait3A_479 = arith.constant 0 : i32
    %dma_wait3A_480 = tpu.memref_slice %dma_wait3A_477[%dma_wait3A_478, %dma_wait3A_479] : memref<25600x128xf32, #tpu.memory_space<hbm>> -> memref<512x64xf32, #tpu.memory_space<hbm>>
    %dma_wait3A_481 = arith.constant 0 : i32
    %dma_wait3A_482 = tpu.memref_slice %arg4[%mul3A_2, %dma_wait3A_481] : memref<819200x128xf32, #tpu.memory_space<hbm>> -> memref<25600x128xf32, #tpu.memory_space<hbm>>
    %dma_wait3A_483 = arith.constant 0 : i32
    %dma_wait3A_484 = arith.constant 0 : i32
    %dma_wait3A_485 = tpu.memref_slice %dma_wait3A_482[%dma_wait3A_483, %dma_wait3A_484] : memref<25600x128xf32, #tpu.memory_space<hbm>> -> memref<512x64xf32, #tpu.memory_space<hbm>>
    %dma_wait3A_486 = arith.constant 0 : i32
    %dma_wait3A_487 = arith.constant 0 : i32
    %dma_wait3A_488 = tpu.memref_slice %arg6[%dma_wait3A_471, %dma_wait3A_486, %dma_wait3A_487] : memref<3x512x64xf32, #tpu.memory_space<vmem>> -> memref<1x512x64xf32, #tpu.memory_space<vmem>>
    %dma_wait3A_489 = tpu.memref_squeeze %dma_wait3A_488 : memref<1x512x64xf32, #tpu.memory_space<vmem>> -> memref<512x64xf32, #tpu.memory_space<vmem>>
    tpu.wait_dma2 semaphore(%arg12 : memref<!tpu.dma_semaphore, #tpu.memory_space<semaphore_mem>>) src(%dma_wait3A_489 : memref<512x64xf32, #tpu.memory_space<vmem>>) dst(%dma_wait3A_485 : memref<512x64xf32, #tpu.memory_space<hbm>>)
    return
  }
}

</mosaic_0001>

<sc_bundles>
// kernel: kernel.3.cloned.1.call-start
scs
__scs_entry_jumppad:
0x0: {  	(pc) =	sbr.rel $0x88, $3  }
0x1: {  	(tag) =	ssettag $0x0;
	lr =	simm.s32 $0x1  }
0x2: {  	[smem:$0x3F9F] =	sst lr;
	_ =	strace $0xD0000000  }
0x3: {  	_ = 	snop  }
0x4: {  	_ = 	snop  }
0x5: {  	_ = 	snop  }
0x6: {  	_ = 	snop  }
0x7: {  	_ = 	snop  }
__scs_overlays_trampoline_lowered:
0x8: {  	[smem:$0x3FAE] =	sst s0  }
0x9: {  	[smem:$0x3FAF] =	sst s1  }
0xa: {  	[smem:$0x3FB0] =	sst s2  }
0xb: {  	[smem:$0x3FB1] =	sst s3  }
0xc: {  	[smem:$0x3FB2] =	sst s4  }
0xd: {  	[smem:$0x3FB3] =	sst s5  }
0xe: {  	[smem:$0x3FB4] =	sst s6  }
0xf: {  	[smem:$0x3FB5] =	sst s7  }
0x10: {  	[smem:$0x3FB6] =	sst s8  }
0x11: {  	[smem:$0x3FB7] =	sst s9;
	s0 =	simm.s32 @!p0 $0x0  }
0x12: {  	s1 =	sld [smem:$0x3F9D];
	s0 =	simm.s32 @p0 $0x1  }
0x13: {  	[smem:$0x3FB8] =	sst s0;
	s0 =	simm.s32 @!p1 $0x0  }
0x14: {  	s2 =	sld [smem:$0x3F9C];
	s0 =	simm.s32 @p1 $0x1  }
0x15: {  	[smem:$0x3FB9] =	sst s0;
	s0 =	simm.s32 @!p2 $0x0  }
0x16: {  	s3 =	sld [smem:$0x3FDB];
	s0 =	simm.s32 @p2 $0x1  }
0x17: {  	s4 =	simm.s32 $0x1BF5;
	[smem:$0x3FBB] =	sst s0  }
0x18: {  	s0 =	sld [smem:$0x3F9E];
	_ =	swait.ge [sflag:s4], $0x0  }
0x19: {  	s7 =	sld [smem:$0x3F9F]  }
0x1a: {  	s8 =	sadd.s32 $0xFFFFE003, lr  }
0x1b: {  	s9 =	sadd.s32 $0xFFFFFEF7, lr;
	s5 =	simm.s32 $0xFFFFFFFF;
	p2 =	slt.u32 s8, $0xFFFFF086  }
0x1c: {  	p1 =	slt.u32 s9, $0xF7A;
	s5 =	simm.s32 @!p2 $0x0  }
0x1d: {  	s5 =	simm.s32 @p1 $0x1;
	p0 =	seq.s32 s7, s2  }
0x1e: {  	s7 =	smul.u32 @!p0 $0xF7A, s2;
	p2 =	seq.s32 @!p0 s5, $0x0  }
0x1f: {  	s9 =	smul.u32 $0xF7A, s1;
	s8 =	simm.s32 @!p0 $0x1BF5;
	p2 =	por !p2, p0  }
0x20: {  	[sflag:s8] =	ssyncset.s32 @!p0 $0xFFFFF086;
	s6 =	sadd.s32 @!p0 s3, s7;
	s7 =	simm.s32 @!p0 $0x108  }
0x21: {  	s3 =	sadd.s32 s3, s9;
	s6 =	sadd.s32 @!p0 $0x88, s6;
	s7 =	simm.s32 @p2 $0x1082  }
0x22: {  	[simem:s7], [sflag:s8] =	dma.local @!p0 [hbm:s6], $0xF7A  }
0x23: {  	s9 =	sor.u32 $0xD0000000, s2;
	s6 =	simm.s32 $0x108;
	_ =	swait.ge @!p0 [sflag:s8], $0x0  }
0x24: {  	s3 =	sadd.s32 $0x88, s3;
	s6 =	simm.s32 @!p1 $0x1082;
	[sflag:s4] =	ssyncset.s32 $0xFFFFF086  }
0x25: {  	[simem:s6], [sflag:s4] =	dma.local [hbm:s3], $0xF7A  }
0x26: {  	[smem:$0x3F9F] =	sst s1;
	(tag) =	ssettag s2;
	_ =	strace s9  }
0x27: {  	s1 =	sld [smem:$0x3FAF]  }
0x28: {  	s2 =	sld [smem:$0x3FB0]  }
0x29: {  	s4 =	sld [smem:$0x3FB2]  }
0x2a: {  	p0 =	seq.s32 s5, $0x0;
	s5 =	sld [smem:$0x3FB3]  }
0x2b: {  	s6 =	sld [smem:$0x3FB4]  }
0x2c: {  	s7 =	sld [smem:$0x3FB5]  }
0x2d: {  	s3 =	simm.s32 $0x108;
	s8 =	sld [smem:$0x3FB6]  }
0x2e: {  	s3 =	simm.s32 @!p0 $0x1082;
	s9 =	sld [smem:$0x3FB7]  }
0x2f: {  	lr =	sadd.s32 s0, s3;
	s0 =	sld [smem:$0x3FAE]  }
0x30: {  	s3 =	sld [smem:$0x3FB1]  }
0x31: {  	[smem:$0x3FBA] =	sst s10  }
0x32: {  	s10 =	sld [smem:$0x3FB8];
	_ =	sdelay $0x3  }
0x33: {  	p0 =	seq.s32 s10, $0x1;
	s10 =	sld [smem:$0x3FBA];
	_ =	sdelay $0x3  }
0x34: {  	[smem:$0x3FBA] =	sst s10  }
0x35: {  	s10 =	sld [smem:$0x3FB9];
	_ =	sdelay $0x3  }
0x36: {  	p1 =	seq.s32 s10, $0x1;
	s10 =	sld [smem:$0x3FBA];
	_ =	sdelay $0x3  }
0x37: {  	[smem:$0x3FBA] =	sst s10  }
0x38: {  	s10 =	sld [smem:$0x3FBB]  }
0x39: {  	_ = 	snop;
	(pc) =	sbr.ind lr, $3  }
0x3a: {  	_ = 	snop  }
0x3b: {  	_ = 	snop  }
0x3c: {  	p2 =	seq.s32 s10, $0x1;
	s10 =	sld [smem:$0x3FBA]  }
0x3d: {  	_ =	shalt  }
0x3e: {  	_ =	shalt  }
0x3f: {  	_ =	shalt  }
0x40: {  	_ =	shalt  }
0x41: {  	_ =	shalt  }
0x42: {  	_ =	shalt  }
0x43: {  	_ =	shalt  }
0x44: {  	_ =	shalt  }
0x45: {  	_ =	shalt  }
0x46: {  	_ =	shalt  }
0x47: {  	_ =	shalt  }
0x48: {  	_ =	shalt  }
0x49: {  	_ =	shalt  }
0x4a: {  	_ =	shalt  }
0x4b: {  	_ =	shalt  }
0x4c: {  	_ =	shalt  }
0x4d: {  	_ =	shalt  }
0x4e: {  	_ =	shalt  }
0x4f: {  	_ =	shalt  }
0x50: {  	_ =	shalt  }
0x51: {  	_ =	shalt  }
0x52: {  	_ =	shalt  }
0x53: {  	_ =	shalt  }
0x54: {  	_ =	shalt  }
0x55: {  	_ =	shalt  }
0x56: {  	_ =	shalt  }
0x57: {  	_ =	shalt  }
0x58: {  	_ =	shalt  }
0x59: {  	_ =	shalt  }
0x5a: {  	_ =	shalt  }
0x5b: {  	_ =	shalt  }
0x5c: {  	_ =	shalt  }
0x5d: {  	_ =	shalt  }
0x5e: {  	_ =	shalt  }
0x5f: {  	_ =	shalt  }
0x60: {  	_ =	shalt  }
0x61: {  	_ =	shalt  }
0x62: {  	_ =	shalt  }
0x63: {  	_ =	shalt  }
0x64: {  	_ =	shalt  }
0x65: {  	_ =	shalt  }
0x66: {  	_ =	shalt  }
0x67: {  	_ =	shalt  }
0x68: {  	_ =	shalt  }
0x69: {  	_ =	shalt  }
0x6a: {  	_ =	shalt  }
0x6b: {  	_ =	shalt  }
0x6c: {  	_ =	shalt  }
0x6d: {  	_ =	shalt  }
0x6e: {  	_ =	shalt  }
0x6f: {  	_ =	shalt  }
0x70: {  	_ =	shalt  }
0x71: {  	_ =	shalt  }
0x72: {  	_ =	shalt  }
0x73: {  	_ =	shalt  }
0x74: {  	_ =	shalt  }
0x75: {  	_ =	shalt  }
0x76: {  	_ =	shalt  }
0x77: {  	_ =	shalt  }
0x78: {  	_ =	shalt  }
0x79: {  	_ =	shalt  }
0x7a: {  	_ =	shalt  }
0x7b: {  	_ =	shalt  }
0x7c: {  	_ =	shalt  }
0x7d: {  	_ =	shalt  }
0x7e: {  	_ =	shalt  }
0x7f: {  	_ =	shalt  }
0x80: {  	_ =	shalt  }
0x81: {  	_ =	shalt  }
0x82: {  	_ =	shalt  }
0x83: {  	_ =	shalt  }
0x84: {  	_ =	shalt  }
0x85: {  	_ =	shalt  }
0x86: {  	_ =	shalt  }
0x87: {  	_ =	shalt  }
.Lfunc_end0:
.L_simem_size_0:
called_computation.1_lowered:
.L_overlay_start_0:
0x88: {  	s2 =	sld [smem:$0x3FD9]  }
0x89: {  	s3 =	sld [smem:$0x3FFE];
	_ =	sdelay $0x1  }
0x8a: {  	s1 =	srdreg.scid  }
0x8b: {  	s0 =	sand.u32 $0x1, s1  }
0x8c: {  	s17 =	sshll.u32 s0, $0xA;
	s2 =	sadd.s32 s3, s2  }
0x8d: {  	s2 =	sadd.s32 s2, s17  }
0x8e: {  	[smem:$0x3FC6] =	sst s2  }
0x8f: {  	_ = 	snop  }
0x90: {  	s2 =	sld [smem:$0x3FD0];
	(tm) =	ssettm $0x1  }
0x91: {  	s18 =	sld [smem:$0x3FFB];
	_ =	sdelay $0x3  }
0x92: {  	_ =	strace s18  }
0x93: {  	s3 =	sld [smem:$0x3FFC];
	_ =	sdelay $0x3  }
0x94: {  	_ =	strace s3  }
0x95: {  	s3 =	sld [smem:$0x3FFD];
	_ =	sdelay $0x3  }
0x96: {  	_ =	strace s3  }
0x97: {  	_ =	strace $0x8FFFFFFF  }
0x98: {  	s19 =	sld [smem:$0x3FDB];
	_ =	sdelay $0x1  }
0x99: {  	s4 =	simm.s32 $_scs_section_size  }
0x9a: {  	s5 =	simm.s32 $_size__tile_overlayer_lowered;
	s6 =	simm.s32 $_tile_overlayer_lowered  }
0x9b: {  	s22 =	simm.s32 $0x1BFF;
	s21 =	sshll.u32 s6, $0x1;
	s3 =	sadd.s32 s4, s19  }
0x9c: {  	s7 =	simm.s32 $0x0;
	s20 =	sshll.u32 s5, $0x1;
	s5 =	sadd.s32 s21, s3  }
0x9d: {  	[timem:s7], [sflag:s22] =	dma.local [hbm:s5], s20  }
0x9e: {  	_ =	swait.ge [sflag:s22], s20  }
0x9f: {  	s4 =	ssub.s32 $0x0, s20;
	[sflag:s22] =	ssyncset.done $0x0  }
0xa0: {  	[sflag:s22] =	ssyncadd.s32 s4;
	_ =	sdelay $0x1  }
0xa1: {  	s23 =	simm.s32 $0x1B8B  }
0xa2: {  	_ =	swait.ge [sflag:s23], $0x1  }
0xa3: {  	[sflag:s23] =	ssyncset.done $0x0  }
0xa4: {  	s25 =	simm.s32 $0x1B8E;
	s24 =	sld [smem:$0x3FFE];
	[sflag:s23] =	ssyncadd.s32 $0xFFFFFFFF  }
0xa5: {  	s26 =	simm.s32 $execute0_lowered;
	[smem:$0x3FD2] =	sst s25  }
0xa6: {  	s5 =	sshll.u32 s26, $0x1;
	_ =	strace $0x80000046;
	[dreg:$0x1] =	wrdreg $0xFFFFFFFF  }
0xa7: {  	s28 =	simm.s32 $_size_execute0_lowered;
	s3 =	sadd.s32 s3, s5;
	[dreg:$0x0] =	wrdreg $0x0  }
0xa8: {  	s5 =	sshll.u32 s28, $0x1;
	[dreg:$0x2] =	wrdreg s3  }
0xa9: {  	[dreg:$0x3] =	wrdreg s5  }
0xaa: {  	[dreg:$0x4] =	wrdreg $0xC0  }
0xab: {  	_ =	task [dreg:s7], $0x5FFFF  }
0xac: {  	[dreg:$0x1] =	wrdreg $0xFFFFFFFF  }
0xad: {  	[dreg:$0x0] =	wrdreg $0x60  }
0xae: {  	[dreg:$0x2] =	wrdreg s2  }
0xaf: {  	[dreg:$0x3] =	wrdreg s24  }
0xb0: {  	[dreg:$0x4] =	wrdreg $0x9  }
0xb1: {  	_ =	task.clear_ibuf [dreg:s7], $0x5FFFF;
	_ =	strace $0x90000046  }
0xb2: {  	s29 =	simm.s32 $0x9;
	_ =	strace $0x80000048  }
0xb3: {  	_ =	swait.ge [sflag:s29], $0x1  }
0xb4: {  	[sflag:s29] =	ssyncadd.s32 $0xFFFFFFFF  }
0xb5: {  	_ =	strace $0x90000048  }
0xb6: {  	_ =	sfence  }
0xb7: {  	s30 =	sld [smem:$0x0];
	_ =	sdelay $0x2  }
0xb8: {  	s31 =	sshll.u32 s1, $0xD;
	s1 =	sshrl.u32 s1, $0x2  }
0xb9: {  	s3 =	sand.u32 $0x4000, s31;
	s1 =	sadd.s32 s1, s30  }
0xba: {  	s0 =	sor.u32 s3, s0;
	s1 =	sshll.u32 s1, $0x11  }
0xbb: {  	s0 =	sor.u32 s1, s0  }
0xbc: {  	s0 =	sadd.s32 $0x8F2B, s0  }
0xbd: {  	[sflag:s0] =	ssyncadd.remote.s32 $0x1  }
0xbe: {  	_ =	sfence.sel $0xFFFF  }
0xbf: {  	[dreg:$0x0] =	wrdreg $0xFFFFFFFF;
	(pc) =	sbr.abs _section_cstart, $3  }
0xc0: {  	[dreg:$0x1] =	wrdreg $0xFFFFFFFF  }
0xc1: {  	_ =	task.clear_ibuf [dreg:s7], $0x2FFFF;
	_ =	strace $0x9FFFFFFF  }
0xc2: {  	(tm) =	ssettm $0x7FFFFFFF  }
0xc3: {  	_ =	shalt  }
tec
execute0_lowered:
.L_overlay_start_1:
0x0: {  	(tag) =	ssettag $0x1  }
0x1: {  	s0 =	srdreg.scid  }
0x2: {  	s2 =	stileid.u32;
	s1 =	rddreg [dreg:$0x0]  }
0x3: {  	s4 =	rddreg [dreg:$0x1];
	s8 =	simm.s32 $0x80;
	s9 =	simm.s32 $0x6400  }
0x4: {  	s10 =	simm.s32 $0x8400;
	s12 =	simm.s32 $0xA400;
	s14 =	simm.s32 $0xC400  }
0x5: {  	s16 =	simm.s32 $0xE400;
	s18 =	simm.s32 $0x10400;
	s20 =	simm.s32 $0x12400  }
0x6: {  	s22 =	simm.s32 $0x14400;
	s23 =	simm.s32 $0x1;
	s24 =	simm.s32 $0x40  }
0x7: {  	s26 =	simm.s32 $0x16400;
	s29 =	simm.s32 $0x18400;
	s31 =	simm.s32 $0x1A400  }
0x8: {  	s11 =	simm.s32 $0x2;
	s13 =	simm.s32 $0x4;
	s25 =	simm.s32 $0x3  }
0x9: {  	s28 =	simm.s32 $0x5;
	s0 =	sand.u32 $0x1, s0;
	s2 =	sshll.u32 s2, $0x1  }
0xa: {  	s19 =	simm.s32 $0x6;
	s21 =	simm.s32 $0x0;
	s3 =	sor.u32 s0, s2  }
0xb: {  	s2 =	simm.s32 $0x0;
	s0 =	ssub.s32 $0x2, s0;
	s5 =	smul.u32 $0x64000, s3  }
0xc: {  	[smem:$0x7FF] =	sst s2;
	s6 =	smul.u32 $0xC80, s3;
	s7 =	sshrl.u32 s0, $0x1  }
0xd: {  	s3 =	sadd.s32 $0xF42E00, s4;
	_ =	strace $0x80000047;
	s0 =	ssub.s32 s0, s7  }
0xe: {  	s7 =	simm.s32 $0x7;
	s5 =	sadd.s32 s5, s4;
	s4 =	sadd.s32 s1, s6  }
0xf: {  	s6 =	smax.u32 s0, $0x1;
	s0 =	simm.s32 $0x1C400;
	s5 =	sadd.s32 $0xA00, s5  }
.LBB2_1:
0x10: {  	[tilespmem:s2], [sflag:$0x7] =	stream.linear.gather [hbm4b:s4+s2], $0x6400, $0x38;
	[tilespmem:$0x1E400] =	vst v63  }
0x11: {  	_ =	swait.ge [sflag:s7], $0x6400  }
0x12: {  	[sflag:s7] =	ssyncset.done $0x0  }
0x13: {  	[sflag:s7] =	ssyncadd.s32 $0xFFFF9C00  }
0x14: {  	[tilespmem:s9], [sflag:$0x1] =	stream.indirect.gather [hbm4b:s3+s8], $0x40, s2, s8, $0xb8;
	[tilespmem:$0x1E400] =	vst v63  }
0x15: {  	_ = 	snop  }
0x16: {  	[tilespmem:s10], [sflag:$0x1] =	stream.indirect.gather [hbm4b:s3+s8], $0x40, s8, s8, $0xb8;
	[tilespmem:$0x1E400] =	vst v63  }
0x17: {  	s1 =	simm.s32 $0x100  }
0x18: {  	[tilespmem:s12], [sflag:$0x1] =	stream.indirect.gather [hbm4b:s3+s8], $0x40, s1, s8, $0xb8;
	[tilespmem:$0x1E400] =	vst v63  }
0x19: {  	s15 =	simm.s32 $0x180  }
0x1a: {  	[tilespmem:s14], [sflag:$0x1] =	stream.indirect.gather [hbm4b:s3+s8], $0x40, s15, s8, $0xb8;
	[tilespmem:$0x1E400] =	vst v63  }
0x1b: {  	s17 =	simm.s32 $0x200  }
0x1c: {  	[tilespmem:s16], [sflag:$0x2] =	stream.indirect.gather [hbm4b:s3+s8], $0x40, s17, s8, $0xb8;
	[tilespmem:$0x1E400] =	vst v63  }
0x1d: {  	s15 =	simm.s32 $0x280  }
0x1e: {  	[tilespmem:s18], [sflag:$0x2] =	stream.indirect.gather [hbm4b:s3+s8], $0x40, s15, s8, $0xb8;
	[tilespmem:$0x1E400] =	vst v63  }
0x1f: {  	s17 =	simm.s32 $0x300  }
0x20: {  	[tilespmem:s20], [sflag:$0x2] =	stream.indirect.gather [hbm4b:s3+s8], $0x40, s17, s8, $0xb8;
	[tilespmem:$0x1E400] =	vst v63  }
0x21: {  	s15 =	simm.s32 $0x380  }
0x22: {  	[tilespmem:s22], [sflag:$0x2] =	stream.indirect.gather [hbm4b:s3+s8], $0x40, s15, s8, $0xb8;
	[tilespmem:$0x1E400] =	vst v63  }
0x23: {  	_ =	swait.ge [sflag:s23], $0x8000  }
0x24: {  	[sflag:s23] =	ssyncset.done $0x0  }
0x25: {  	[sflag:s23] =	ssyncadd.s32 $0xFFFF8000  }
0x26: {  	[hbm4b:s5+s24] =	stream.strided.scatter [tilespmem:s9], [sflag:$0x4], $0x8000, s8, s24, $0x38;
	[tilespmem:$0x1E400] =	vst v63  }
0x27: {  	s17 =	simm.s32 $0x400  }
0x28: {  	[tilespmem:s26], [sflag:$0x3] =	stream.indirect.gather [hbm4b:s3+s8], $0x40, s17, s8, $0xb8;
	[tilespmem:$0x1E400] =	vst v63  }
0x29: {  	s15 =	simm.s32 $0x480  }
0x2a: {  	[tilespmem:s29], [sflag:$0x3] =	stream.indirect.gather [hbm4b:s3+s8], $0x40, s15, s8, $0xb8;
	[tilespmem:$0x1E400] =	vst v63  }
0x2b: {  	s17 =	simm.s32 $0x500  }
0x2c: {  	[tilespmem:s31], [sflag:$0x3] =	stream.indirect.gather [hbm4b:s3+s8], $0x40, s17, s8, $0xb8;
	[tilespmem:$0x1E400] =	vst v63  }
0x2d: {  	s15 =	simm.s32 $0x580  }
0x2e: {  	[tilespmem:s0], [sflag:$0x3] =	stream.indirect.gather [hbm4b:s3+s8], $0x40, s15, s8, $0xb8;
	[tilespmem:$0x1E400] =	vst v63  }
0x2f: {  	_ =	swait.ge [sflag:s11], $0x8000  }
0x30: {  	[sflag:s11] =	ssyncset.done $0x0  }
0x31: {  	s17 =	sadd.s32 $0x2000, s5;
	[sflag:s11] =	ssyncadd.s32 $0xFFFF8000  }
0x32: {  	[hbm4b:s17+s24] =	stream.strided.scatter [tilespmem:s16], [sflag:$0x5], $0x8000, s8, s24, $0x38;
	[tilespmem:$0x1E400] =	vst v63  }
0x33: {  	_ =	swait.ge [sflag:s13], $0x8000  }
0x34: {  	[sflag:s13] =	ssyncset.done $0x0  }
0x35: {  	s15 =	simm.s32 $0x600;
	[sflag:s13] =	ssyncadd.s32 $0xFFFF8000  }
0x36: {  	[tilespmem:s9], [sflag:$0x1] =	stream.indirect.gather [hbm4b:s3+s8], $0x40, s15, s8, $0xb8;
	[tilespmem:$0x1E400] =	vst v63  }
0x37: {  	s17 =	simm.s32 $0x680  }
0x38: {  	[tilespmem:s10], [sflag:$0x1] =	stream.indirect.gather [hbm4b:s3+s8], $0x40, s17, s8, $0xb8;
	[tilespmem:$0x1E400] =	vst v63  }
0x39: {  	s15 =	simm.s32 $0x700  }
0x3a: {  	[tilespmem:s12], [sflag:$0x1] =	stream.indirect.gather [hbm4b:s3+s8], $0x40, s15, s8, $0xb8;
	[tilespmem:$0x1E400] =	vst v63  }
0x3b: {  	s17 =	simm.s32 $0x780  }
0x3c: {  	[tilespmem:s14], [sflag:$0x1] =	stream.indirect.gather [hbm4b:s3+s8], $0x40, s17, s8, $0xb8;
	[tilespmem:$0x1E400] =	vst v63  }
0x3d: {  	_ =	swait.ge [sflag:s25], $0x8000  }
0x3e: {  	[sflag:s25] =	ssyncset.done $0x0  }
0x3f: {  	s15 =	sadd.s32 $0x4000, s5;
	[sflag:s25] =	ssyncadd.s32 $0xFFFF8000  }
0x40: {  	[hbm4b:s15+s24] =	stream.strided.scatter [tilespmem:s26], [sflag:$0x6], $0x8000, s8, s24, $0x38;
	[tilespmem:$0x1E400] =	vst v63  }
0x41: {  	_ =	swait.ge [sflag:s28], $0x8000  }
0x42: {  	[sflag:s28] =	ssyncset.done $0x0  }
0x43: {  	s17 =	simm.s32 $0x800;
	[sflag:s28] =	ssyncadd.s32 $0xFFFF8000  }
0x44: {  	[tilespmem:s16], [sflag:$0x2] =	stream.indirect.gather [hbm4b:s3+s8], $0x40, s17, s8, $0xb8;
	[tilespmem:$0x1E400] =	vst v63  }
0x45: {  	s15 =	simm.s32 $0x880  }
0x46: {  	[tilespmem:s18], [sflag:$0x2] =	stream.indirect.gather [hbm4b:s3+s8], $0x40, s15, s8, $0xb8;
	[tilespmem:$0x1E400] =	vst v63  }
0x47: {  	s17 =	simm.s32 $0x900  }
0x48: {  	[tilespmem:s20], [sflag:$0x2] =	stream.indirect.gather [hbm4b:s3+s8], $0x40, s17, s8, $0xb8;
	[tilespmem:$0x1E400] =	vst v63  }
0x49: {  	s15 =	simm.s32 $0x980  }
0x4a: {  	[tilespmem:s22], [sflag:$0x2] =	stream.indirect.gather [hbm4b:s3+s8], $0x40, s15, s8, $0xb8;
	[tilespmem:$0x1E400] =	vst v63  }
0x4b: {  	_ =	swait.ge [sflag:s23], $0x8000  }
0x4c: {  	s1 =	sadd.s32 $0xA000, s5;
	[sflag:s23] =	ssyncset.done $0x0  }
0x4d: {  	s15 =	sadd.s32 $0xFFFFC000, s1;
	[sflag:s23] =	ssyncadd.s32 $0xFFFF8000  }
0x4e: {  	[hbm4b:s15+s24] =	stream.strided.scatter [tilespmem:s9], [sflag:$0x4], $0x8000, s8, s24, $0x38;
	[tilespmem:$0x1E400] =	vst v63  }
0x4f: {  	_ =	swait.ge [sflag:s19], $0x8000  }
0x50: {  	[sflag:s19] =	ssyncset.done $0x0  }
0x51: {  	s17 =	simm.s32 $0xA00;
	[sflag:s19] =	ssyncadd.s32 $0xFFFF8000  }
0x52: {  	[tilespmem:s26], [sflag:$0x3] =	stream.indirect.gather [hbm4b:s3+s8], $0x40, s17, s8, $0xb8;
	[tilespmem:$0x1E400] =	vst v63  }
0x53: {  	s17 =	simm.s32 $0xA80  }
0x54: {  	[tilespmem:s29], [sflag:$0x3] =	stream.indirect.gather [hbm4b:s3+s8], $0x40, s17, s8, $0xb8;
	[tilespmem:$0x1E400] =	vst v63  }
0x55: {  	s17 =	simm.s32 $0xB00  }
0x56: {  	[tilespmem:s31], [sflag:$0x3] =	stream.indirect.gather [hbm4b:s3+s8], $0x40, s17, s8, $0xb8;
	[tilespmem:$0x1E400] =	vst v63  }
0x57: {  	s17 =	simm.s32 $0xB80  }
0x58: {  	[tilespmem:s0], [sflag:$0x3] =	stream.indirect.gather [hbm4b:s3+s8], $0x40, s17, s8, $0xb8;
	[tilespmem:$0x1E400] =	vst v63  }
0x59: {  	_ =	swait.ge [sflag:s11], $0x8000  }
0x5a: {  	[sflag:s11] =	ssyncset.done $0x0  }
0x5b: {  	s17 =	sadd.s32 $0xFFFFE000, s1;
	[sflag:s11] =	ssyncadd.s32 $0xFFFF8000  }
0x5c: {  	[hbm4b:s17+s24] =	stream.strided.scatter [tilespmem:s16], [sflag:$0x5], $0x8000, s8, s24, $0x38;
	[tilespmem:$0x1E400] =	vst v63  }
0x5d: {  	_ =	swait.ge [sflag:s13], $0x8000  }
0x5e: {  	[sflag:s13] =	ssyncset.done $0x0  }
0x5f: {  	s17 =	simm.s32 $0xC00;
	[sflag:s13] =	ssyncadd.s32 $0xFFFF8000  }
0x60: {  	[tilespmem:s9], [sflag:$0x1] =	stream.indirect.gather [hbm4b:s3+s8], $0x40, s17, s8, $0xb8;
	[tilespmem:$0x1E400] =	vst v63  }
0x61: {  	s17 =	simm.s32 $0xC80  }
0x62: {  	[tilespmem:s10], [sflag:$0x1] =	stream.indirect.gather [hbm4b:s3+s8], $0x40, s17, s8, $0xb8;
	[tilespmem:$0x1E400] =	vst v63  }
0x63: {  	s17 =	simm.s32 $0xD00  }
0x64: {  	[tilespmem:s12], [sflag:$0x1] =	stream.indirect.gather [hbm4b:s3+s8], $0x40, s17, s8, $0xb8;
	[tilespmem:$0x1E400] =	vst v63  }
0x65: {  	s17 =	simm.s32 $0xD80  }
0x66: {  	[tilespmem:s14], [sflag:$0x1] =	stream.indirect.gather [hbm4b:s3+s8], $0x40, s17, s8, $0xb8;
	[tilespmem:$0x1E400] =	vst v63  }
0x67: {  	_ =	swait.ge [sflag:s25], $0x8000  }
0x68: {  	[sflag:s25] =	ssyncset.done $0x0  }
0x69: {  	[sflag:s25] =	ssyncadd.s32 $0xFFFF8000  }
0x6a: {  	[hbm4b:s1+s24] =	stream.strided.scatter [tilespmem:s26], [sflag:$0x6], $0x8000, s8, s24, $0x38;
	[tilespmem:$0x1E400] =	vst v63  }
0x6b: {  	_ =	swait.ge [sflag:s28], $0x8000  }
0x6c: {  	[sflag:s28] =	ssyncset.done $0x0  }
0x6d: {  	s17 =	simm.s32 $0xE00;
	[sflag:s28] =	ssyncadd.s32 $0xFFFF8000  }
0x6e: {  	[tilespmem:s16], [sflag:$0x2] =	stream.indirect.gather [hbm4b:s3+s8], $0x40, s17, s8, $0xb8;
	[tilespmem:$0x1E400] =	vst v63  }
0x6f: {  	s30 =	simm.s32 $0x1800;
	s17 =	simm.s32 $0xE80  }
0x70: {  	[tilespmem:s18], [sflag:$0x2] =	stream.indirect.gather [hbm4b:s3+s8], $0x40, s17, s8, $0xb8;
	[tilespmem:$0x1E400] =	vst v63  }
0x71: {  	s15 =	simm.s32 $0xF80;
	s1 =	sadd.s32 $0x6000, s1;
	s17 =	simm.s32 $0xF00  }
0x72: {  	[tilespmem:s20], [sflag:$0x2] =	stream.indirect.gather [hbm4b:s3+s8], $0x40, s17, s8, $0xb8;
	[tilespmem:$0x1E400] =	vst v63  }
.LBB2_2:
0x73: {  	[tilespmem:s22], [sflag:$0x2] =	stream.indirect.gather [hbm4b:s3+s8], $0x40, s15, s8, $0xb8;
	[tilespmem:$0x1E400] =	vst v63  }
0x74: {  	s15 =	smov.u32 s30  }
0x75: {  	p0 =	sne.s32 s30, $0x15000;
	s30 =	sadd.s32 $0x1800, s30;
	_ =	swait.ge [sflag:s23], $0x8000  }
0x76: {  	[sflag:s23] =	ssyncset.done $0x0  }
0x77: {  	s17 =	sadd.s32 $0xFFFFC000, s1;
	[sflag:s23] =	ssyncadd.s32 $0xFFFF8000  }
0x78: {  	[hbm4b:s17+s24] =	stream.strided.scatter [tilespmem:s9], [sflag:$0x4], $0x8000, s8, s24, $0x38;
	[tilespmem:$0x1E400] =	vst v63  }
0x79: {  	_ =	swait.ge [sflag:s19], $0x8000  }
0x7a: {  	s15 =	sshra.s32 s15, $0x2;
	[sflag:s19] =	ssyncset.done $0x0  }
0x7b: {  	s17 =	sadd.s32 $0xA00, s15;
	[sflag:s19] =	ssyncadd.s32 $0xFFFF8000  }
0x7c: {  	[tilespmem:s26], [sflag:$0x3] =	stream.indirect.gather [hbm4b:s3+s8], $0x40, s17, s8, $0xb8;
	[tilespmem:$0x1E400] =	vst v63  }
0x7d: {  	s17 =	sadd.s32 $0xA80, s15  }
0x7e: {  	[tilespmem:s29], [sflag:$0x3] =	stream.indirect.gather [hbm4b:s3+s8], $0x40, s17, s8, $0xb8;
	[tilespmem:$0x1E400] =	vst v63  }
0x7f: {  	s17 =	sadd.s32 $0xB00, s15  }
0x80: {  	[tilespmem:s31], [sflag:$0x3] =	stream.indirect.gather [hbm4b:s3+s8], $0x40, s17, s8, $0xb8;
	[tilespmem:$0x1E400] =	vst v63  }
0x81: {  	s17 =	sadd.s32 $0xB80, s15  }
0x82: {  	[tilespmem:s0], [sflag:$0x3] =	stream.indirect.gather [hbm4b:s3+s8], $0x40, s17, s8, $0xb8;
	[tilespmem:$0x1E400] =	vst v63  }
0x83: {  	_ =	swait.ge [sflag:s11], $0x8000  }
0x84: {  	[sflag:s11] =	ssyncset.done $0x0  }
0x85: {  	s17 =	sadd.s32 $0xFFFFE000, s1;
	[sflag:s11] =	ssyncadd.s32 $0xFFFF8000  }
0x86: {  	[hbm4b:s17+s24] =	stream.strided.scatter [tilespmem:s16], [sflag:$0x5], $0x8000, s8, s24, $0x38;
	[tilespmem:$0x1E400] =	vst v63  }
0x87: {  	_ =	swait.ge [sflag:s13], $0x8000  }
0x88: {  	[sflag:s13] =	ssyncset.done $0x0  }
0x89: {  	s17 =	sadd.s32 $0xC00, s15;
	[sflag:s13] =	ssyncadd.s32 $0xFFFF8000  }
0x8a: {  	[tilespmem:s9], [sflag:$0x1] =	stream.indirect.gather [hbm4b:s3+s8], $0x40, s17, s8, $0xb8;
	[tilespmem:$0x1E400] =	vst v63  }
0x8b: {  	s17 =	sadd.s32 $0xC80, s15  }
0x8c: {  	[tilespmem:s10], [sflag:$0x1] =	stream.indirect.gather [hbm4b:s3+s8], $0x40, s17, s8, $0xb8;
	[tilespmem:$0x1E400] =	vst v63  }
0x8d: {  	s17 =	sadd.s32 $0xD00, s15  }
0x8e: {  	[tilespmem:s12], [sflag:$0x1] =	stream.indirect.gather [hbm4b:s3+s8], $0x40, s17, s8, $0xb8;
	[tilespmem:$0x1E400] =	vst v63  }
0x8f: {  	s17 =	sadd.s32 $0xD80, s15  }
0x90: {  	[tilespmem:s14], [sflag:$0x1] =	stream.indirect.gather [hbm4b:s3+s8], $0x40, s17, s8, $0xb8;
	[tilespmem:$0x1E400] =	vst v63  }
0x91: {  	_ =	swait.ge [sflag:s25], $0x8000  }
0x92: {  	[sflag:s25] =	ssyncset.done $0x0  }
0x93: {  	[sflag:s25] =	ssyncadd.s32 $0xFFFF8000  }
0x94: {  	[hbm4b:s1+s24] =	stream.strided.scatter [tilespmem:s26], [sflag:$0x6], $0x8000, s8, s24, $0x38;
	[tilespmem:$0x1E400] =	vst v63  }
0x95: {  	_ =	swait.ge [sflag:s28], $0x8000  }
0x96: {  	[sflag:s28] =	ssyncset.done $0x0  }
0x97: {  	s17 =	sadd.s32 $0xE00, s15;
	[sflag:s28] =	ssyncadd.s32 $0xFFFF8000  }
0x98: {  	[tilespmem:s16], [sflag:$0x2] =	stream.indirect.gather [hbm4b:s3+s8], $0x40, s17, s8, $0xb8;
	[tilespmem:$0x1E400] =	vst v63  }
.Ltmp0:
0x99: {  	s17 =	sadd.s32 $0xE80, s15;
	(pc) =	sbr.rel @p0 .LBB2_2-.Ltmp0, $4  }
0x9a: {  	[tilespmem:s18], [sflag:$0x2] =	stream.indirect.gather [hbm4b:s3+s8], $0x40, s17, s8, $0xb8;
	[tilespmem:$0x1E400] =	vst v63  }
0x9b: {  	s17 =	sadd.s32 $0xF00, s15  }
0x9c: {  	[tilespmem:s20], [sflag:$0x2] =	stream.indirect.gather [hbm4b:s3+s8], $0x40, s17, s8, $0xb8;
	[tilespmem:$0x1E400] =	vst v63  }
0x9d: {  	s1 =	sadd.s32 $0x6000, s1;
	s15 =	sadd.s32 $0xF80, s15  }
0x9e: {  	[tilespmem:s22], [sflag:$0x2] =	stream.indirect.gather [hbm4b:s3+s8], $0x40, s15, s8, $0xb8;
	[tilespmem:$0x1E400] =	vst v63  }
0x9f: {  	_ =	swait.ge [sflag:s23], $0x8000  }
0xa0: {  	[sflag:s23] =	ssyncset.done $0x0  }
0xa1: {  	s1 =	sadd.s32 $0x60000, s5;
	[sflag:s23] =	ssyncadd.s32 $0xFFFF8000  }
0xa2: {  	[hbm4b:s1+s24] =	stream.strided.scatter [tilespmem:s9], [sflag:$0x4], $0x8000, s8, s24, $0x38;
	[tilespmem:$0x1E400] =	vst v63  }
0xa3: {  	_ =	swait.ge [sflag:s11], $0x8000  }
0xa4: {  	[sflag:s11] =	ssyncset.done $0x0  }
0xa5: {  	s30 =	sadd.s32 $0x62000, s5;
	[sflag:s11] =	ssyncadd.s32 $0xFFFF8000  }
0xa6: {  	[hbm4b:s30+s24] =	stream.strided.scatter [tilespmem:s16], [sflag:$0x5], $0x8000, s8, s24, $0x38;
	[tilespmem:$0x1E400] =	vst v63  }
0xa7: {  	_ =	swait.ge [sflag:s13], $0x8000  }
0xa8: {  	[sflag:s13] =	ssyncset.done $0x0  }
0xa9: {  	s21 =	sadd.s32 $0x1, s21;
	[sflag:s13] =	ssyncadd.s32 $0xFFFF8000  }
0xaa: {  	p0 =	sne.s32 s21, s6;
	_ =	swait.ge [sflag:s28], $0x8000  }
.Ltmp1:
0xab: {  	[sflag:s28] =	ssyncset.done $0x0;
	(pc) =	sbr.rel @p0 .LBB2_1-.Ltmp1, $4  }
0xac: {  	[sflag:s28] =	ssyncadd.s32 $0xFFFF8000  }
0xad: {  	_ =	swait.ge [sflag:s19], $0x8000  }
0xae: {  	[sflag:s19] =	ssyncset.done $0x0  }
0xaf: {  	[sflag:s19] =	ssyncadd.s32 $0xFFFF8000  }
0xb0: {  	_ =	sfence.sel $0x180000  }
0xb1: {  	[bflag:$0x0] =	sbarrier.arrive $0xFFFF  }
0xb2: {  	_ =	strace $0x90000047  }
0xb3: {  	s0 =	stileid.u32;
	[bflag:$0x2] =	sbarrier.arrive $0xFFFF  }
0xb4: {  	p0 =	sne.s32 s0, $0x0;
	s0 =	rddreg [dreg:$0x2]  }
0xb5: {  	s0 =	sadd.s32 @!p0 $0x100000, s0  }
0xb6: {  	[sflag:s0] =	ssyncadd.tile.s32 @!p0 $0x1;
	_ =	shalt  }
.Lfunc_end2:
_tile_overlayer_lowered:
.L_overlay_start_2:
0xb7: {  	(tag) =	ssettag $0x2  }
0xb8: {  	s0 =	rddreg [dreg:$0x0];
	s2 =	stileid.u32  }
0xb9: {  	s1 =	rddreg [dreg:$0x1];
	p0 =	sne.s32 s2, $0x0  }
0xba: {  	s3 =	rddreg [dreg:$0x2];
	[bflag:$0x3] =	sbarrier.arrive $0xFFFF;
	s2 =	simm.s32 @!p0 $0x1C07  }
0xbb: {  	[timem:s3], [sflag:s2] =	dma.local @!p0 [hbm:s0], s1  }
0xbc: {  	s0 =	simm.s32 @!p0 $0x7  }
0xbd: {  	_ =	swait.ge @!p0 [sflag:s0], s1  }
0xbe: {  	s1 =	ssub.s32 @!p0 $0x0, s1;
	[sflag:s0] =	ssyncset.done @!p0 $0x0  }
0xbf: {  	[sflag:s0] =	ssyncadd.s32 @!p0 s1  }
0xc0: {  	[bflag:$0x3] =	sbarrier.arrive $0xFFFF  }
0xc1: {  	_ =	shalt  }

// kernel: sparse-core-data-format-call.cloned.1.call-start
scs
called_computation_lowered:
.L_overlay_start_0:
0x0: {  	s2 =	sld [smem:$0x3FD9]  }
0x1: {  	s3 =	sld [smem:$0x3FFE];
	_ =	sdelay $0x1  }
0x2: {  	s1 =	srdreg.scid  }
0x3: {  	s0 =	sand.u32 $0x1, s1  }
0x4: {  	s18 =	sshll.u32 s0, $0xA;
	s2 =	sadd.s32 s3, s2  }
0x5: {  	s2 =	sadd.s32 s2, s18  }
0x6: {  	[smem:$0x3FC6] =	sst s2  }
0x7: {  	_ = 	snop  }
0x8: {  	s2 =	sld [smem:$0x3FD0];
	(tm) =	ssettm $0x1  }
0x9: {  	s19 =	sld [smem:$0x3FFB];
	_ =	sdelay $0x3  }
0xa: {  	_ =	strace s19  }
0xb: {  	s3 =	sld [smem:$0x3FFC];
	_ =	sdelay $0x3  }
0xc: {  	_ =	strace s3  }
0xd: {  	s3 =	sld [smem:$0x3FFD];
	_ =	sdelay $0x3  }
0xe: {  	_ =	strace s3  }
0xf: {  	_ =	strace $0x8FFFFFFF  }
0x10: {  	s20 =	sld [smem:$0x3FDB];
	_ =	sdelay $0x1  }
0x11: {  	s4 =	simm.s32 $_scs_section_size  }
0x12: {  	s5 =	simm.s32 $_size__tile_overlayer_lowered;
	s6 =	simm.s32 $_tile_overlayer_lowered  }
0x13: {  	s23 =	simm.s32 $0x1BFF;
	s22 =	sshll.u32 s6, $0x1;
	s3 =	sadd.s32 s4, s20  }
0x14: {  	s7 =	simm.s32 $0x0;
	s21 =	sshll.u32 s5, $0x1;
	s5 =	sadd.s32 s22, s3  }
0x15: {  	[timem:s7], [sflag:s23] =	dma.local [hbm:s5], s21  }
0x16: {  	_ =	swait.ge [sflag:s23], s21  }
0x17: {  	s4 =	ssub.s32 $0x0, s21;
	[sflag:s23] =	ssyncset.done $0x0  }
0x18: {  	[sflag:s23] =	ssyncadd.s32 s4;
	_ =	sdelay $0x1  }
0x19: {  	s24 =	simm.s32 $0x1B8B  }
0x1a: {  	_ =	swait.ge [sflag:s24], $0x1  }
0x1b: {  	[sflag:s24] =	ssyncset.done $0x0  }
0x1c: {  	s26 =	simm.s32 $0x1B8E;
	s25 =	sld [smem:$0x3FFE];
	[sflag:s24] =	ssyncadd.s32 $0xFFFFFFFF  }
0x1d: {  	s27 =	simm.s32 $execute0_lowered;
	[smem:$0x3FD2] =	sst s26  }
0x1e: {  	s5 =	sshll.u32 s27, $0x1;
	_ =	strace $0x80000049;
	[dreg:$0x1] =	wrdreg $0xFFFFFFFF  }
0x1f: {  	s28 =	simm.s32 $_size_execute0_lowered;
	s3 =	sadd.s32 s3, s5;
	[dreg:$0x0] =	wrdreg $0x0  }
0x20: {  	s5 =	sshll.u32 s28, $0x1;
	[dreg:$0x2] =	wrdreg s3  }
0x21: {  	[dreg:$0x3] =	wrdreg s5  }
0x22: {  	[dreg:$0x4] =	wrdreg $0xC0  }
0x23: {  	_ =	task [dreg:s7], $0x5FFFF  }
0x24: {  	[dreg:$0x1] =	wrdreg $0xFFFFFFFF  }
0x25: {  	[dreg:$0x0] =	wrdreg $0x60  }
0x26: {  	[dreg:$0x2] =	wrdreg s25  }
0x27: {  	[dreg:$0x3] =	wrdreg s2  }
0x28: {  	[dreg:$0x4] =	wrdreg $0x9  }
0x29: {  	_ =	task.clear_ibuf [dreg:s7], $0x5FFFF;
	_ =	strace $0x90000049  }
0x2a: {  	s29 =	simm.s32 $0x9;
	_ =	strace $0x8000004B  }
0x2b: {  	_ =	swait.ge [sflag:s29], $0x1  }
0x2c: {  	[sflag:s29] =	ssyncadd.s32 $0xFFFFFFFF  }
0x2d: {  	_ =	strace $0x9000004B  }
0x2e: {  	_ =	sfence  }
0x2f: {  	s30 =	sld [smem:$0x0];
	_ =	sdelay $0x2  }
0x30: {  	s31 =	sshll.u32 s1, $0xD;
	s1 =	sshrl.u32 s1, $0x2  }
0x31: {  	s3 =	sand.u32 $0x4000, s31;
	s1 =	sadd.s32 s1, s30  }
0x32: {  	s0 =	sor.u32 s3, s0;
	s1 =	sshll.u32 s1, $0x11  }
0x33: {  	s0 =	sor.u32 s1, s0  }
0x34: {  	s0 =	sadd.s32 $0x8F2B, s0  }
0x35: {  	[sflag:s0] =	ssyncadd.remote.s32 $0x1  }
0x36: {  	_ =	sfence.sel $0xFFFF  }
0x37: {  	[dreg:$0x0] =	wrdreg $0xFFFFFFFF;
	(pc) =	sbr.abs _section_cstart, $3  }
0x38: {  	[dreg:$0x1] =	wrdreg $0xFFFFFFFF  }
0x39: {  	_ =	task.clear_ibuf [dreg:s7], $0x2FFFF;
	_ =	strace $0x9FFFFFFF  }
0x3a: {  	(tm) =	ssettm $0x7FFFFFFF  }
0x3b: {  	_ =	shalt  }
tec
execute0_lowered:
.L_overlay_start_1:
0x0: {  	(tag) =	ssettag $0x1  }
0x1: {  	s0 =	srdreg.scid  }
0x2: {  	s1 =	sshll.u32 s0, $0x4  }
0x3: {  	s0 =	stileid.u32;
	s1 =	sand.u32 $0x10, s1  }
0x4: {  	s1 =	sor.u32 s0, s1  }
0x5: {  	s6 =	rddreg [dreg:$0x0];
	s4 =	simm.s32 $0x1;
	s2 =	sshll.u32 s1, $0x7  }
0x6: {  	s7 =	simm.s32 $0x2;
	s12 =	simm.s32 $0x0;
	s1 =	ssub.s32 $0x1000, s2  }
0x7: {  	s8 =	simm.s32 $0x8000;
	s13 =	simm.s32 $0x0;
	s3 =	sand.u32 $0xF80, s1  }
0x8: {  	s9 =	simm.s32 $0x0;
	s5 =	sshrl.u32 s1, $0xC;
	p0 =	sne.s32 s3, $0x0  }
.Ltmp0:
0x9: {  	s1 =	rddreg [dreg:$0x2];
	s4 =	simm.s32 @!p0 $0x0;
	(pc) =	sbr.rel .LBB1_1-.Ltmp0, $4  }
0xa: {  	s11 =	simm.s32 $0x0;
	s3 =	rddreg [dreg:$0x1];
	s5 =	sadd.s32 s4, s5  }
0xb: {  	_ =	strace $0x8000004A;
	s4 =	simm.s32 $0x1;
	s5 =	smul.u32 $0xC8, s5  }
0xc: {  	s6 =	sadd.s32 $0xA00, s6;
	s10 =	smov.u32 s2;
	[sflag:s4] =	ssyncpa.u1 $0x0  }
0xd: {  	p0 =	por $0x0, $0x0;
	[sflag:s7] =	ssyncpa.u1 $0x0;
	s7 =	sor.u32 $0x1, s5  }
.LBB1_4:
0xe: {  	s16 =	sshll.u32 s13, $0x3;
	s17 =	sand.u32 $0x78, s13  }
0xf: {  	s30 =	sand.u32 $0x7E00, s13;
	s12 =	sshll.u32 s12, $0xF;
	s16 =	sand.u32 $0xC00, s16  }
0x10: {  	[tilespmem:s15+$0x810 ss:$0x81] =	vst.msk $0xffff, v2;
	s31 =	sand.u32 $0x7, s13;
	s16 =	sor.u32 s17, s16;
	s17 =	sadd.s32 s3, s30  }
0x11: {  	[tilespmem:s15+$0x1020 ss:$0x81] =	vst.msk $0xffff, v0;
	s13 =	sshll.u32 s31, $0x12;
	s12 =	sadd.s32 s12, s17;
	s16 =	sshrl.u32 s16, $0x3  }
0x12: {  	[tilespmem:s15+$0x0 ss:$0x81] =	vst.msk $0xffff, v1;
	s13 =	sor.u32 $0x400, s13;
	s12 =	sadd.s32 s16, s12  }
0x13: {  	[hbm4b:s12+s13] =	stream.strided.scatter [tilespmem:s14], [sflag:$0x2], $0x2000, s8, s13, $0x20;
	[tilespmem:$0x8080] =	vst v63  }
.LBB1_5:
0x14: {  	s14 =	sadd.s32 $0x1, s9  }
0x15: {  	s12 =	sadd.s32 $0x1000, s10;
	s16 =	smov.u32 s10;
	p2 =	sgt.s32 s14, $0xC7  }
0x16: {  	s16 =	smov.u32 @p2 s12  }
0x17: {  	s14 =	simm.s32 @p2 $0x0;
	p2 =	sgt.s32 s16, $0xFFF  }
0x18: {  	s16 =	smov.u32 @p2 s2;
	p2 =	sne.s32 s11, s7  }
.Ltmp1:
0x19: {  	p1 =	slt.u32 s11, $0x2;
	(pc) =	sbr.rel @!p2 .LBB1_6-.Ltmp1, $4  }
0x1a: {  	s15 =	simm.s32 @!p1 $0x2  }
0x1b: {  	s13 =	smov.u32 s10;
	p0 =	por !p0, !p0;
	_ =	swait.ge @!p1 [sflag:s15], $0x2000  }
0x1c: {  	s12 =	smov.u32 s9;
	[sflag:s15] =	ssyncset.done @!p1 $0x0;
	s9 =	smov.u32 s14  }
0x1d: {  	s11 =	sadd.s32 $0x1, s11;
	[sflag:s15] =	ssyncadd.s32 @!p1 $0xFFFFE000;
	s10 =	smov.u32 s16  }
.LBB1_1:
0x1e: {  	p1 =	sge.u32 s11, s5  }
0x1f: {  	s14 =	sand.u32 @!p1 $0x1FFFFFF, s9  }
0x20: {  	s15 =	smulhi.u32 @!p1 $0x147AE15, s14;
	_ =	sdelay $0x1  }
0x21: {  	s15 =	smul.u32 @!p1 $0xC8, s15  }
0x22: {  	s16 =	sxor.u32 @!p1 $0xFFFFFFFF, s11;
	s17 =	smul.u32 @!p1 $0xC80, s10  }
0x23: {  	s31 =	sadd.s32 $0xFFFFFFFF, s11;
	s16 =	sshll.u32 @!p1 s16, $0xD;
	s14 =	ssub.s32 @!p1 s14, s15  }
0x24: {  	s15 =	sand.u32 @!p1 $0x2000, s16;
	s16 =	sadd.s32 @!p1 s6, s17;
	s14 =	sshll.u32 @!p1 s14, $0x4  }
0x25: {  	s17 =	simm.s32 @!p1 $0x6400;
	s14 =	sadd.s32 @!p1 s14, s16;
	s16 =	simm.s32 @!p1 $0x40  }
0x26: {  	[tilespmem:s15], [sflag:$0x1] =	stream.strided.gather @!p1 [hbm4b:s14+s16], $0x2000, s17, s16, $0x38;
	[tilespmem:$0x8080] =	vst v63  }
0x27: {  	p1 =	sge.u32 s31, s5  }
.Ltmp2:
0x28: {  	_ = 	snop;
	(pc) =	sbr.rel @p1 .LBB1_5-.Ltmp2, $1  }
0x29: {  	_ =	sdelay $0x3  }
0x2a: {  	s14 =	simm.s32 $0x1  }
0x2b: {  	_ =	swait.ge [sflag:s4], $0x2000;
	s14 =	simm.s32 @!p0 $0x0  }
0x2c: {  	[sflag:s4] =	ssyncset.done $0x0;
	s15 =	sshll.u32 s14, $0xD  }
0x2d: {  	[sflag:s4] =	ssyncadd.s32 $0xFFFFE000;
	s18 =	sor.u32 $0x20, s15  }
0x2e: {  	s14 =	smul.u32 $0x8100, s14;
	v3 =	vld [tilespmem:s18+$0x10]  }
0x2f: {  	s30 =	sand.u32 $0x1, s11;
	v2 =	vld [tilespmem:s18+$0xFFFFFFF0]  }
0x30: {  	s15 =	smul.u32 $0x8100, s30;
	s14 =	sshrl.u32 s14, $0x2;
	v0 =	vld [tilespmem:s18+$0x0]  }
0x31: {  	v1 =	vld [tilespmem:s18+$0xFFFFFFE0];
	s16 =	sor.u32 $0x4000, s14  }
0x32: {  	s31 =	sshrl.u32 s15, $0x2;
	s15 =	sadd.s32 $0x0, s16  }
0x33: {  	s17 =	simm.s32 $0x4;
	s18 =	sadd.s32 $0x40, s18;
	s14 =	sor.u32 $0x4000, s31;
	[tilespmem:s15+$0x1830 ss:$0x81] =	vst.msk $0xffff, v3  }
.LBB1_3:
0x34: {  	v3 =	vld [tilespmem:s18+$0x10];
	p1 =	sne.s32 s17, $0x1FC;
	[tilespmem:s15+$0x810 ss:$0x81] =	vst.msk $0xffff, v2;
	s19 =	smov.u32 s17;
	s17 =	sadd.s32 $0x4, s17  }
.Ltmp3:
0x35: {  	v2 =	vld [tilespmem:s18+$0xFFFFFFF0];
	[tilespmem:s15+$0x1020 ss:$0x81] =	vst.msk $0xffff, v0;
	(pc) =	sbr.rel @p1 .LBB1_3-.Ltmp3, $4  }
0x36: {  	v0 =	vld [tilespmem:s18+$0x0];
	[tilespmem:s15+$0x0 ss:$0x81] =	vst.msk $0xffff, v1  }
0x37: {  	s15 =	sshra.s32 s19, $0x2;
	v1 =	vld [tilespmem:s18+$0xFFFFFFE0]  }
0x38: {  	s15 =	sadd.s32 s15, s16  }
0x39: {  	s18 =	sadd.s32 $0x40, s18;
	[tilespmem:s15+$0x1830 ss:$0x81] =	vst.msk $0xffff, v3  }
.Ltmp4:
0x3a: {  	_ = 	snop;
	(pc) =	sbr.rel .LBB1_4-.Ltmp4, $1  }
0x3b: {  	_ =	sdelay $0x3  }
.LBB1_6:
0x3c: {  	_ =	sfence.sel $0x180000  }
0x3d: {  	s2 =	simm.s32 $0x1;
	[bflag:$0x0] =	sbarrier.arrive $0xFFFF  }
0x3e: {  	s31 =	simm.s32 $0x2;
	[sflag:s2] =	ssyncpa.u1 $0x1  }
0x3f: {  	[sflag:s31] =	ssyncpa.u1 $0x1  }
0x40: {  	p0 =	sne.s32 s0, $0x0;
	_ =	strace $0x9000004A  }
0x41: {  	s0 =	sadd.s32 @!p0 $0x100000, s1;
	[bflag:$0x2] =	sbarrier.arrive $0xFFFF  }
0x42: {  	[sflag:s0] =	ssyncadd.tile.s32 @!p0 $0x1;
	_ =	shalt  }
.Lfunc_end1:
_tile_overlayer_lowered:
.L_overlay_start_2:
0x43: {  	(tag) =	ssettag $0x2  }
0x44: {  	s0 =	rddreg [dreg:$0x0];
	s2 =	stileid.u32  }
0x45: {  	s1 =	rddreg [dreg:$0x1];
	p0 =	sne.s32 s2, $0x0  }
0x46: {  	s3 =	rddreg [dreg:$0x2];
	[bflag:$0x3] =	sbarrier.arrive $0xFFFF;
	s2 =	simm.s32 @!p0 $0x1C01  }
0x47: {  	[timem:s3], [sflag:s2] =	dma.local @!p0 [hbm:s0], s1  }
0x48: {  	s0 =	simm.s32 @!p0 $0x1  }
0x49: {  	_ =	swait.ge @!p0 [sflag:s0], s1  }
0x4a: {  	s1 =	ssub.s32 @!p0 $0x0, s1;
	[sflag:s0] =	ssyncset.done @!p0 $0x0  }
0x4b: {  	[sflag:s0] =	ssyncadd.s32 @!p0 s1  }
0x4c: {  	[bflag:$0x3] =	sbarrier.arrive $0xFFFF  }
0x4d: {  	_ =	shalt  }

</sc_bundles>
